<compile_context>
chip_gen: v7x
topology: tpu7x:2x2x1
jax: 0.10.2.dev20260603
libtpu: 0.0.44.dev20260713+nightly
codegen_flags: <defaults>
</compile_context>

<pallas_src>
import functools

import jax
import jax.numpy as jnp
from jax import lax
from jax.experimental import pallas as pl
from jax.experimental.pallas import tpu as pltpu
from jax.experimental.pallas import tpu_sc as plsc

N_NODES = 65536
NH = 9
D_FEAT = 128

NC = 2
NS = 16
NW = NC * NS

TOTAL = N_NODES * NH
B_PER_W = TOTAL // NW
CHUNK = 128
NCHUNK = B_PER_W // CHUNK
NBUF = 6
KLAG = 4


def _gather_kernel(table_hbm, idx_hbm, out_hbm, idx_v, bufs, *sems):
    gsems = sems[:NBUF]
    ssems = sems[NBUF:]
    wid = lax.axis_index("s") * NC + lax.axis_index("c")

    pltpu.sync_copy(idx_hbm.at[wid], idx_v)

    def gather_copy(j, b):
        return pltpu.make_async_copy(
            table_hbm.at[idx_v.at[j]], bufs.at[b], gsems[b])

    def scatter_copy(j, b):
        return pltpu.make_async_copy(
            bufs.at[b], out_hbm.at[wid, j], ssems[b])

    for b in range(NBUF):
        gather_copy(b, b).start()

    def group(g, carry):
        j0 = g * NBUF
        for b in range(NBUF):
            j = j0 + b
            gather_copy(j, b).wait()
            scatter_copy(j, b).start()
            jw = j - KLAG
            bw = (b - KLAG) % NBUF
            nj = jw + NBUF

            @pl.when(jnp.logical_and(jw >= 0, nj < NCHUNK))
            def _():
                scatter_copy(jw, bw).wait()
                gather_copy(nj, bw).start()

        return carry

    lax.fori_loop(0, NCHUNK // NBUF, group, 0)

    for b in range(NBUF):
        scatter_copy(NCHUNK - NBUF + b, b).wait()


@jax.jit
def _run(table, idx):
    mesh = plsc.VectorSubcoreMesh(core_axis_name="c", subcore_axis_name="s",
                                  num_cores=NC, num_subcores=NS)
    kern = pl.kernel(
        _gather_kernel,
        out_type=jax.ShapeDtypeStruct((NW, NCHUNK, CHUNK, D_FEAT), jnp.float32),
        mesh=mesh,
        scratch_types=[
            pltpu.VMEM((NCHUNK, CHUNK), jnp.int32),
            pltpu.VMEM((NBUF, CHUNK, D_FEAT), jnp.float32),
        ] + [pltpu.SemaphoreType.DMA] * (2 * NBUF),
    )
    return kern(table, idx)


def kernel(x, adjc, adjc_mask, coordinates):
    table = x.reshape(N_NODES, D_FEAT)
    idx = adjc.T.reshape(NW, NCHUNK, CHUNK)
    out = _run(table, idx)
    return out.reshape(NH, N_NODES, D_FEAT).transpose(1, 0, 2)[None, None]

# --- scband reference (transcript-rebuilt; emitter-appended) ---
"""Pipeline reference for scband-grid-layer-40896678592577 (READ-ONLY COPY).

The authoritative reference and input builder live on the scoring server;
editing this copy changes nothing except your own understanding.
"""

import jax, jax.numpy as jnp
import numpy as np

N_NODES = 65536
NH = 9
D_FEAT = 128


def setup_inputs(seed: int = 0) -> dict:
    key = jax.random.key(seed)
    k1, k2, k3 = jax.random.split(key, 3)
    x = jax.random.normal(k1, (1, 1, N_NODES, D_FEAT), dtype=jnp.float32)
    adjc = jax.random.randint(k2, (N_NODES, NH), 0, N_NODES, dtype=jnp.int32)
    # by convention adjc[:, 0] is the node itself
    adjc = adjc.at[:, 0].set(jnp.arange(N_NODES, dtype=jnp.int32))
    adjc_mask = jnp.ones((N_NODES, NH), dtype=bool)
    coordinates = jax.random.uniform(k3, (N_NODES, 2), dtype=jnp.float32)
    return {"x": x, "adjc": adjc, "adjc_mask": adjc_mask, "coordinates": coordinates}


def gather_nh_data(x, adjc_patch):
    # Faithful jax translation of gather_nh_data:
    #   x: [B, C, N, d...] -> gathered [B, C, N, nh, d...]
    x_dims = x.shape
    xf = x.reshape(x_dims[0], x_dims[1], x_dims[2], -1)  # [B, C, N, D]
    nh = adjc_patch.shape[-1]
    idx = adjc_patch.reshape(-1)  # [N*nh]
    gathered = jnp.take(xf, idx, axis=2)  # [B, C, N*nh, D]
    gathered = gathered.reshape(x_dims[0], x_dims[1], x_dims[2], nh, *x_dims[3:])
    return gathered


def reference(x, adjc, adjc_mask, coordinates):
    # GridLayer.get_nh with patch_index=None, zoom_patch_sample=None,
    # with_nh=True, mask=None:
    #   x = x[:, :, adjc]  (neighborhood gather along the node axis)
    # Implemented via the same gather as gather_nh_data (identical result).
    out = gather_nh_data(x, adjc)  # [B, C, N, nh, d_feat]
    return out

if __name__ == "__main__":
    import jax
    _d = setup_inputs()
    print(jax.jit(kernel)(*tuple(_d.values())))

</pallas_src>

<mosaic_0001>
#map = affine_map<(d0, d1) -> (0, 0)>
#map1 = affine_map<(d0, d1) -> (0, 0, 0)>
#map2 = affine_map<(d0, d1) -> (0, 0, 0, 0)>
module attributes {stable_mosaic.version = 14 : i64} {
  func.func @_gather_kernel(%arg0: i32, %arg1: i32, %arg2: memref<65536x128xf32, #tpu.memory_space<hbm>>, %arg3: memref<32x144x128xi32, #tpu.memory_space<hbm>>, %arg4: memref<32x144x128x128xf32, #tpu.memory_space<hbm>>, %arg5: memref<144x128xi32, #tpu.memory_space<vmem>>, %arg6: memref<6x128x128xf32, #tpu.memory_space<vmem>>, %arg7: memref<!tpu.dma_semaphore, #tpu.memory_space<semaphore_mem>>, %arg8: memref<!tpu.dma_semaphore, #tpu.memory_space<semaphore_mem>>, %arg9: memref<!tpu.dma_semaphore, #tpu.memory_space<semaphore_mem>>, %arg10: memref<!tpu.dma_semaphore, #tpu.memory_space<semaphore_mem>>, %arg11: memref<!tpu.dma_semaphore, #tpu.memory_space<semaphore_mem>>, %arg12: memref<!tpu.dma_semaphore, #tpu.memory_space<semaphore_mem>>, %arg13: memref<!tpu.dma_semaphore, #tpu.memory_space<semaphore_mem>>, %arg14: memref<!tpu.dma_semaphore, #tpu.memory_space<semaphore_mem>>, %arg15: memref<!tpu.dma_semaphore, #tpu.memory_space<semaphore_mem>>, %arg16: memref<!tpu.dma_semaphore, #tpu.memory_space<semaphore_mem>>, %arg17: memref<!tpu.dma_semaphore, #tpu.memory_space<semaphore_mem>>, %arg18: memref<!tpu.dma_semaphore, #tpu.memory_space<semaphore_mem>>) attributes {dimension_semantics = [#tpu.dimension_semantics<core_parallel>, #tpu.dimension_semantics<subcore_parallel>], iteration_bounds = array<i64: 2, 16>, scalar_prefetch = 0 : i64, scratch_operands = 14 : i64, tpu.core_type = #tpu.core_type<sc_vector_subcore>, window_params = [{transform_indices = #map}, {transform_indices = #map1}, {transform_indices = #map2}]} {
    %mul3A = arith.constant 2 : i32
    %mul3A_0 = arith.muli %arg1, %mul3A : i32
    %add3A = arith.addi %mul3A_0, %arg0 : i32
    "tpu.region"() ({
      %run_scoped3A = tpu.sem_alloc : memref<!tpu.dma_semaphore, #tpu.memory_space<semaphore_mem>>
      %dma_start3A_184 = arith.constant 0 : i32
      %dma_start3A_185 = arith.constant 0 : i32
      %dma_start3A_186 = tpu.memref_slice %arg3[%add3A, %dma_start3A_184, %dma_start3A_185] : memref<32x144x128xi32, #tpu.memory_space<hbm>> -> memref<1x144x128xi32, #tpu.memory_space<hbm>>
      %dma_start3A_187 = tpu.memref_squeeze %dma_start3A_186 : memref<1x144x128xi32, #tpu.memory_space<hbm>> -> memref<144x128xi32, #tpu.memory_space<hbm>>
      %dma_start3A_188 = arith.constant 0 : i32
      %dma_start3A_189 = arith.constant 0 : i32
      %dma_start3A_190 = tpu.memref_slice %arg3[%add3A, %dma_start3A_188, %dma_start3A_189] : memref<32x144x128xi32, #tpu.memory_space<hbm>> -> memref<1x144x128xi32, #tpu.memory_space<hbm>>
      %dma_start3A_191 = tpu.memref_squeeze %dma_start3A_190 : memref<1x144x128xi32, #tpu.memory_space<hbm>> -> memref<144x128xi32, #tpu.memory_space<hbm>>
      tpu.enqueue_dma source(%dma_start3A_191 : memref<144x128xi32, #tpu.memory_space<hbm>>) target(%arg5 : memref<144x128xi32, #tpu.memory_space<vmem>>) target_semaphore(%run_scoped3A : memref<!tpu.dma_semaphore, #tpu.memory_space<semaphore_mem>>)
      %dma_wait3A_192 = arith.constant 0 : i32
      %dma_wait3A_193 = arith.constant 0 : i32
      %dma_wait3A_194 = tpu.memref_slice %arg3[%add3A, %dma_wait3A_192, %dma_wait3A_193] : memref<32x144x128xi32, #tpu.memory_space<hbm>> -> memref<1x144x128xi32, #tpu.memory_space<hbm>>
      %dma_wait3A_195 = tpu.memref_squeeze %dma_wait3A_194 : memref<1x144x128xi32, #tpu.memory_space<hbm>> -> memref<144x128xi32, #tpu.memory_space<hbm>>
      %dma_wait3A_196 = arith.constant 0 : i32
      %dma_wait3A_197 = arith.constant 0 : i32
      %dma_wait3A_198 = tpu.memref_slice %arg3[%add3A, %dma_wait3A_196, %dma_wait3A_197] : memref<32x144x128xi32, #tpu.memory_space<hbm>> -> memref<1x144x128xi32, #tpu.memory_space<hbm>>
      %dma_wait3A_199 = tpu.memref_squeeze %dma_wait3A_198 : memref<1x144x128xi32, #tpu.memory_space<hbm>> -> memref<144x128xi32, #tpu.memory_space<hbm>>
      tpu.wait_dma2 semaphore(%run_scoped3A : memref<!tpu.dma_semaphore, #tpu.memory_space<semaphore_mem>>) src(%dma_wait3A_199 : memref<144x128xi32, #tpu.memory_space<hbm>>) dst(%arg5 : memref<144x128xi32, #tpu.memory_space<vmem>>)
      tpu.yield
    }) : () -> ()
    %dma_start3A = arith.constant 0 : i32
    %dma_start3A_1 = arith.constant 0 : i32
    %dma_start3A_2 = arith.constant 0 : i32
    %dma_start3A_3 = arith.constant 0 : i32
    %dma_start3A_4 = tpu.memref_slice %arg6[%dma_start3A_1, %dma_start3A_2, %dma_start3A_3] : memref<6x128x128xf32, #tpu.memory_space<vmem>> -> memref<1x128x128xf32, #tpu.memory_space<vmem>>
    %dma_start3A_5 = tpu.memref_squeeze %dma_start3A_4 : memref<1x128x128xf32, #tpu.memory_space<vmem>> -> memref<128x128xf32, #tpu.memory_space<vmem>>
    %dma_start3A_6 = arith.constant 0 : i32
    %dma_start3A_7 = tpu.memref_slice %arg5[%dma_start3A, %dma_start3A_6] : memref<144x128xi32, #tpu.memory_space<vmem>> -> memref<1x128xi32, #tpu.memory_space<vmem>>
    %dma_start3A_8 = tpu.memref_squeeze %dma_start3A_7 : memref<1x128xi32, #tpu.memory_space<vmem>> -> memref<128xi32, #tpu.memory_space<vmem>>
    %dma_start3A_9 = arith.constant 0 : i32
    %dma_start3A_10 = arith.constant 0 : i32
    %dma_start3A_11 = tpu.memref_slice %arg2[%dma_start3A_9, %dma_start3A_10] : memref<65536x128xf32, #tpu.memory_space<hbm>> -> memref<65536x128xf32, #tpu.memory_space<hbm>>
    tpu.enqueue_indirect_dma source(%dma_start3A_11 : memref<65536x128xf32, #tpu.memory_space<hbm>>) target(%dma_start3A_5 : memref<128x128xf32, #tpu.memory_space<vmem>>) offsets(%dma_start3A_8 : memref<128xi32, #tpu.memory_space<vmem>>) semaphore(%arg7 : memref<!tpu.dma_semaphore, #tpu.memory_space<semaphore_mem>>)
    %dma_start3A_12 = arith.constant 1 : i32
    %dma_start3A_13 = arith.constant 1 : i32
    %dma_start3A_14 = arith.constant 0 : i32
    %dma_start3A_15 = arith.constant 0 : i32
    %dma_start3A_16 = tpu.memref_slice %arg6[%dma_start3A_13, %dma_start3A_14, %dma_start3A_15] : memref<6x128x128xf32, #tpu.memory_space<vmem>> -> memref<1x128x128xf32, #tpu.memory_space<vmem>>
    %dma_start3A_17 = tpu.memref_squeeze %dma_start3A_16 : memref<1x128x128xf32, #tpu.memory_space<vmem>> -> memref<128x128xf32, #tpu.memory_space<vmem>>
    %dma_start3A_18 = arith.constant 0 : i32
    %dma_start3A_19 = tpu.memref_slice %arg5[%dma_start3A_12, %dma_start3A_18] : memref<144x128xi32, #tpu.memory_space<vmem>> -> memref<1x128xi32, #tpu.memory_space<vmem>>
    %dma_start3A_20 = tpu.memref_squeeze %dma_start3A_19 : memref<1x128xi32, #tpu.memory_space<vmem>> -> memref<128xi32, #tpu.memory_space<vmem>>
    %dma_start3A_21 = arith.constant 0 : i32
    %dma_start3A_22 = arith.constant 0 : i32
    %dma_start3A_23 = tpu.memref_slice %arg2[%dma_start3A_21, %dma_start3A_22] : memref<65536x128xf32, #tpu.memory_space<hbm>> -> memref<65536x128xf32, #tpu.memory_space<hbm>>
    tpu.enqueue_indirect_dma source(%dma_start3A_23 : memref<65536x128xf32, #tpu.memory_space<hbm>>) target(%dma_start3A_17 : memref<128x128xf32, #tpu.memory_space<vmem>>) offsets(%dma_start3A_20 : memref<128xi32, #tpu.memory_space<vmem>>) semaphore(%arg8 : memref<!tpu.dma_semaphore, #tpu.memory_space<semaphore_mem>>)
    %dma_start3A_24 = arith.constant 2 : i32
    %dma_start3A_25 = arith.constant 2 : i32
    %dma_start3A_26 = arith.constant 0 : i32
    %dma_start3A_27 = arith.constant 0 : i32
    %dma_start3A_28 = tpu.memref_slice %arg6[%dma_start3A_25, %dma_start3A_26, %dma_start3A_27] : memref<6x128x128xf32, #tpu.memory_space<vmem>> -> memref<1x128x128xf32, #tpu.memory_space<vmem>>
    %dma_start3A_29 = tpu.memref_squeeze %dma_start3A_28 : memref<1x128x128xf32, #tpu.memory_space<vmem>> -> memref<128x128xf32, #tpu.memory_space<vmem>>
    %dma_start3A_30 = arith.constant 0 : i32
    %dma_start3A_31 = tpu.memref_slice %arg5[%dma_start3A_24, %dma_start3A_30] : memref<144x128xi32, #tpu.memory_space<vmem>> -> memref<1x128xi32, #tpu.memory_space<vmem>>
    %dma_start3A_32 = tpu.memref_squeeze %dma_start3A_31 : memref<1x128xi32, #tpu.memory_space<vmem>> -> memref<128xi32, #tpu.memory_space<vmem>>
    %dma_start3A_33 = arith.constant 0 : i32
    %dma_start3A_34 = arith.constant 0 : i32
    %dma_start3A_35 = tpu.memref_slice %arg2[%dma_start3A_33, %dma_start3A_34] : memref<65536x128xf32, #tpu.memory_space<hbm>> -> memref<65536x128xf32, #tpu.memory_space<hbm>>
    tpu.enqueue_indirect_dma source(%dma_start3A_35 : memref<65536x128xf32, #tpu.memory_space<hbm>>) target(%dma_start3A_29 : memref<128x128xf32, #tpu.memory_space<vmem>>) offsets(%dma_start3A_32 : memref<128xi32, #tpu.memory_space<vmem>>) semaphore(%arg9 : memref<!tpu.dma_semaphore, #tpu.memory_space<semaphore_mem>>)
    %dma_start3A_36 = arith.constant 3 : i32
    %dma_start3A_37 = arith.constant 3 : i32
    %dma_start3A_38 = arith.constant 0 : i32
    %dma_start3A_39 = arith.constant 0 : i32
    %dma_start3A_40 = tpu.memref_slice %arg6[%dma_start3A_37, %dma_start3A_38, %dma_start3A_39] : memref<6x128x128xf32, #tpu.memory_space<vmem>> -> memref<1x128x128xf32, #tpu.memory_space<vmem>>
    %dma_start3A_41 = tpu.memref_squeeze %dma_start3A_40 : memref<1x128x128xf32, #tpu.memory_space<vmem>> -> memref<128x128xf32, #tpu.memory_space<vmem>>
    %dma_start3A_42 = arith.constant 0 : i32
    %dma_start3A_43 = tpu.memref_slice %arg5[%dma_start3A_36, %dma_start3A_42] : memref<144x128xi32, #tpu.memory_space<vmem>> -> memref<1x128xi32, #tpu.memory_space<vmem>>
    %dma_start3A_44 = tpu.memref_squeeze %dma_start3A_43 : memref<1x128xi32, #tpu.memory_space<vmem>> -> memref<128xi32, #tpu.memory_space<vmem>>
    %dma_start3A_45 = arith.constant 0 : i32
    %dma_start3A_46 = arith.constant 0 : i32
    %dma_start3A_47 = tpu.memref_slice %arg2[%dma_start3A_45, %dma_start3A_46] : memref<65536x128xf32, #tpu.memory_space<hbm>> -> memref<65536x128xf32, #tpu.memory_space<hbm>>
    tpu.enqueue_indirect_dma source(%dma_start3A_47 : memref<65536x128xf32, #tpu.memory_space<hbm>>) target(%dma_start3A_41 : memref<128x128xf32, #tpu.memory_space<vmem>>) offsets(%dma_start3A_44 : memref<128xi32, #tpu.memory_space<vmem>>) semaphore(%arg10 : memref<!tpu.dma_semaphore, #tpu.memory_space<semaphore_mem>>)
    %dma_start3A_48 = arith.constant 4 : i32
    %dma_start3A_49 = arith.constant 4 : i32
    %dma_start3A_50 = arith.constant 0 : i32
    %dma_start3A_51 = arith.constant 0 : i32
    %dma_start3A_52 = tpu.memref_slice %arg6[%dma_start3A_49, %dma_start3A_50, %dma_start3A_51] : memref<6x128x128xf32, #tpu.memory_space<vmem>> -> memref<1x128x128xf32, #tpu.memory_space<vmem>>
    %dma_start3A_53 = tpu.memref_squeeze %dma_start3A_52 : memref<1x128x128xf32, #tpu.memory_space<vmem>> -> memref<128x128xf32, #tpu.memory_space<vmem>>
    %dma_start3A_54 = arith.constant 0 : i32
    %dma_start3A_55 = tpu.memref_slice %arg5[%dma_start3A_48, %dma_start3A_54] : memref<144x128xi32, #tpu.memory_space<vmem>> -> memref<1x128xi32, #tpu.memory_space<vmem>>
    %dma_start3A_56 = tpu.memref_squeeze %dma_start3A_55 : memref<1x128xi32, #tpu.memory_space<vmem>> -> memref<128xi32, #tpu.memory_space<vmem>>
    %dma_start3A_57 = arith.constant 0 : i32
    %dma_start3A_58 = arith.constant 0 : i32
    %dma_start3A_59 = tpu.memref_slice %arg2[%dma_start3A_57, %dma_start3A_58] : memref<65536x128xf32, #tpu.memory_space<hbm>> -> memref<65536x128xf32, #tpu.memory_space<hbm>>
    tpu.enqueue_indirect_dma source(%dma_start3A_59 : memref<65536x128xf32, #tpu.memory_space<hbm>>) target(%dma_start3A_53 : memref<128x128xf32, #tpu.memory_space<vmem>>) offsets(%dma_start3A_56 : memref<128xi32, #tpu.memory_space<vmem>>) semaphore(%arg11 : memref<!tpu.dma_semaphore, #tpu.memory_space<semaphore_mem>>)
    %dma_start3A_60 = arith.constant 5 : i32
    %dma_start3A_61 = arith.constant 5 : i32
    %dma_start3A_62 = arith.constant 0 : i32
    %dma_start3A_63 = arith.constant 0 : i32
    %dma_start3A_64 = tpu.memref_slice %arg6[%dma_start3A_61, %dma_start3A_62, %dma_start3A_63] : memref<6x128x128xf32, #tpu.memory_space<vmem>> -> memref<1x128x128xf32, #tpu.memory_space<vmem>>
    %dma_start3A_65 = tpu.memref_squeeze %dma_start3A_64 : memref<1x128x128xf32, #tpu.memory_space<vmem>> -> memref<128x128xf32, #tpu.memory_space<vmem>>
    %dma_start3A_66 = arith.constant 0 : i32
    %dma_start3A_67 = tpu.memref_slice %arg5[%dma_start3A_60, %dma_start3A_66] : memref<144x128xi32, #tpu.memory_space<vmem>> -> memref<1x128xi32, #tpu.memory_space<vmem>>
    %dma_start3A_68 = tpu.memref_squeeze %dma_start3A_67 : memref<1x128xi32, #tpu.memory_space<vmem>> -> memref<128xi32, #tpu.memory_space<vmem>>
    %dma_start3A_69 = arith.constant 0 : i32
    %dma_start3A_70 = arith.constant 0 : i32
    %dma_start3A_71 = tpu.memref_slice %arg2[%dma_start3A_69, %dma_start3A_70] : memref<65536x128xf32, #tpu.memory_space<hbm>> -> memref<65536x128xf32, #tpu.memory_space<hbm>>
    tpu.enqueue_indirect_dma source(%dma_start3A_71 : memref<65536x128xf32, #tpu.memory_space<hbm>>) target(%dma_start3A_65 : memref<128x128xf32, #tpu.memory_space<vmem>>) offsets(%dma_start3A_68 : memref<128xi32, #tpu.memory_space<vmem>>) semaphore(%arg12 : memref<!tpu.dma_semaphore, #tpu.memory_space<semaphore_mem>>)
    %scan3A = arith.constant 0 : i32
    %scan3A_72 = arith.constant 0 : i32
    %scan3A_73 = arith.constant 24 : i32
    %scan3A_74 = arith.addi %scan3A_72, %scan3A_73 : i32
    %scan3A_75 = arith.constant 1 : i32
    scf.for %scan3A_184 = %scan3A_72 to %scan3A_74 step %scan3A_75  : i32 {
      %mul3A_185 = arith.constant 6 : i32
      %mul3A_186 = arith.muli %scan3A_184, %mul3A_185 : i32
      %add3A_187 = arith.constant 0 : i32
      %add3A_188 = arith.addi %mul3A_186, %add3A_187 : i32
      %dma_wait3A_189 = arith.constant 0 : i32
      %dma_wait3A_190 = arith.constant 0 : i32
      %dma_wait3A_191 = arith.constant 0 : i32
      %dma_wait3A_192 = tpu.memref_slice %arg6[%dma_wait3A_189, %dma_wait3A_190, %dma_wait3A_191] : memref<6x128x128xf32, #tpu.memory_space<vmem>> -> memref<1x128x128xf32, #tpu.memory_space<vmem>>
      %dma_wait3A_193 = tpu.memref_squeeze %dma_wait3A_192 : memref<1x128x128xf32, #tpu.memory_space<vmem>> -> memref<128x128xf32, #tpu.memory_space<vmem>>
      %dma_wait3A_194 = arith.constant 0 : i32
      %dma_wait3A_195 = tpu.memref_slice %arg5[%add3A_188, %dma_wait3A_194] : memref<144x128xi32, #tpu.memory_space<vmem>> -> memref<1x128xi32, #tpu.memory_space<vmem>>
      %dma_wait3A_196 = tpu.memref_squeeze %dma_wait3A_195 : memref<1x128xi32, #tpu.memory_space<vmem>> -> memref<128xi32, #tpu.memory_space<vmem>>
      %dma_wait3A_197 = arith.constant 0 : i32
      %dma_wait3A_198 = arith.constant 0 : i32
      %dma_wait3A_199 = tpu.memref_slice %arg2[%dma_wait3A_197, %dma_wait3A_198] : memref<65536x128xf32, #tpu.memory_space<hbm>> -> memref<65536x128xf32, #tpu.memory_space<hbm>>
      tpu.wait_indirect_dma semaphore(%arg7 : memref<!tpu.dma_semaphore, #tpu.memory_space<semaphore_mem>>) src(%dma_wait3A_199 : memref<65536x128xf32, #tpu.memory_space<hbm>>) dst(%dma_wait3A_193 : memref<128x128xf32, #tpu.memory_space<vmem>>)
      %dma_start3A_200 = arith.constant 0 : i32
      %dma_start3A_201 = arith.constant 0 : i32
      %dma_start3A_202 = arith.constant 0 : i32
      %dma_start3A_203 = tpu.memref_slice %arg6[%dma_start3A_200, %dma_start3A_201, %dma_start3A_202] : memref<6x128x128xf32, #tpu.memory_space<vmem>> -> memref<1x128x128xf32, #tpu.memory_space<vmem>>
      %dma_start3A_204 = tpu.memref_squeeze %dma_start3A_203 : memref<1x128x128xf32, #tpu.memory_space<vmem>> -> memref<128x128xf32, #tpu.memory_space<vmem>>
      %dma_start3A_205 = arith.constant 0 : i32
      %dma_start3A_206 = arith.constant 0 : i32
      %dma_start3A_207 = tpu.memref_slice %arg4[%add3A, %add3A_188, %dma_start3A_205, %dma_start3A_206] : memref<32x144x128x128xf32, #tpu.memory_space<hbm>> -> memref<1x1x128x128xf32, #tpu.memory_space<hbm>>
      %dma_start3A_208 = tpu.memref_squeeze %dma_start3A_207 : memref<1x1x128x128xf32, #tpu.memory_space<hbm>> -> memref<128x128xf32, #tpu.memory_space<hbm>>
      %dma_start3A_209 = arith.constant 0 : i32
      %dma_start3A_210 = arith.constant 0 : i32
      %dma_start3A_211 = tpu.memref_slice %arg4[%add3A, %add3A_188, %dma_start3A_209, %dma_start3A_210] : memref<32x144x128x128xf32, #tpu.memory_space<hbm>> -> memref<1x1x128x128xf32, #tpu.memory_space<hbm>>
      %dma_start3A_212 = tpu.memref_squeeze %dma_start3A_211 : memref<1x1x128x128xf32, #tpu.memory_space<hbm>> -> memref<128x128xf32, #tpu.memory_space<hbm>>
      %dma_start3A_213 = arith.constant 0 : i32
      %dma_start3A_214 = arith.constant 0 : i32
      %dma_start3A_215 = tpu.memref_slice %arg6[%dma_start3A_200, %dma_start3A_213, %dma_start3A_214] : memref<6x128x128xf32, #tpu.memory_space<vmem>> -> memref<1x128x128xf32, #tpu.memory_space<vmem>>
      %dma_start3A_216 = tpu.memref_squeeze %dma_start3A_215 : memref<1x128x128xf32, #tpu.memory_space<vmem>> -> memref<128x128xf32, #tpu.memory_space<vmem>>
      tpu.enqueue_dma source(%dma_start3A_216 : memref<128x128xf32, #tpu.memory_space<vmem>>) target(%dma_start3A_212 : memref<128x128xf32, #tpu.memory_space<hbm>>) target_semaphore(%arg13 : memref<!tpu.dma_semaphore, #tpu.memory_space<semaphore_mem>>)
      %sub3A = arith.constant 4 : i32
      %sub3A_217 = arith.subi %add3A_188, %sub3A : i32
      %add3A_218 = arith.constant 6 : i32
      %add3A_219 = arith.addi %sub3A_217, %add3A_218 : i32
      %ge3A = arith.constant 0 : i32
      %ge3A_220 = arith.cmpi sge, %sub3A_217, %ge3A : i32
      %lt3A = arith.constant 144 : i32
      %lt3A_221 = arith.cmpi slt, %add3A_219, %lt3A : i32
      %and3A = arith.andi %ge3A_220, %lt3A_221 : i1
      %convert_element_type3A = arith.extui %and3A : i1 to i32
      %cond3A = arith.constant 0 : i32
      %cond3A_222 = arith.cmpi ne, %convert_element_type3A, %cond3A : i32
      scf.if %cond3A_222 {
        %dma_wait3A_433 = arith.constant 2 : i32
        %dma_wait3A_434 = arith.constant 0 : i32
        %dma_wait3A_435 = arith.constant 0 : i32
        %dma_wait3A_436 = tpu.memref_slice %arg6[%dma_wait3A_433, %dma_wait3A_434, %dma_wait3A_435] : memref<6x128x128xf32, #tpu.memory_space<vmem>> -> memref<1x128x128xf32, #tpu.memory_space<vmem>>
        %dma_wait3A_437 = tpu.memref_squeeze %dma_wait3A_436 : memref<1x128x128xf32, #tpu.memory_space<vmem>> -> memref<128x128xf32, #tpu.memory_space<vmem>>
        %dma_wait3A_438 = arith.constant 0 : i32
        %dma_wait3A_439 = arith.constant 0 : i32
        %dma_wait3A_440 = tpu.memref_slice %arg4[%add3A, %sub3A_217, %dma_wait3A_438, %dma_wait3A_439] : memref<32x144x128x128xf32, #tpu.memory_space<hbm>> -> memref<1x1x128x128xf32, #tpu.memory_space<hbm>>
        %dma_wait3A_441 = tpu.memref_squeeze %dma_wait3A_440 : memref<1x1x128x128xf32, #tpu.memory_space<hbm>> -> memref<128x128xf32, #tpu.memory_space<hbm>>
        %dma_wait3A_442 = arith.constant 0 : i32
        %dma_wait3A_443 = arith.constant 0 : i32
        %dma_wait3A_444 = tpu.memref_slice %arg4[%add3A, %sub3A_217, %dma_wait3A_442, %dma_wait3A_443] : memref<32x144x128x128xf32, #tpu.memory_space<hbm>> -> memref<1x1x128x128xf32, #tpu.memory_space<hbm>>
        %dma_wait3A_445 = tpu.memref_squeeze %dma_wait3A_444 : memref<1x1x128x128xf32, #tpu.memory_space<hbm>> -> memref<128x128xf32, #tpu.memory_space<hbm>>
        %dma_wait3A_446 = arith.constant 0 : i32
        %dma_wait3A_447 = arith.constant 0 : i32
        %dma_wait3A_448 = tpu.memref_slice %arg6[%dma_wait3A_433, %dma_wait3A_446, %dma_wait3A_447] : memref<6x128x128xf32, #tpu.memory_space<vmem>> -> memref<1x128x128xf32, #tpu.memory_space<vmem>>
        %dma_wait3A_449 = tpu.memref_squeeze %dma_wait3A_448 : memref<1x128x128xf32, #tpu.memory_space<vmem>> -> memref<128x128xf32, #tpu.memory_space<vmem>>
        tpu.wait_dma2 semaphore(%arg15 : memref<!tpu.dma_semaphore, #tpu.memory_space<semaphore_mem>>) src(%dma_wait3A_449 : memref<128x128xf32, #tpu.memory_space<vmem>>) dst(%dma_wait3A_445 : memref<128x128xf32, #tpu.memory_space<hbm>>)
        %dma_start3A_450 = arith.constant 2 : i32
        %dma_start3A_451 = arith.constant 0 : i32
        %dma_start3A_452 = arith.constant 0 : i32
        %dma_start3A_453 = tpu.memref_slice %arg6[%dma_start3A_450, %dma_start3A_451, %dma_start3A_452] : memref<6x128x128xf32, #tpu.memory_space<vmem>> -> memref<1x128x128xf32, #tpu.memory_space<vmem>>
        %dma_start3A_454 = tpu.memref_squeeze %dma_start3A_453 : memref<1x128x128xf32, #tpu.memory_space<vmem>> -> memref<128x128xf32, #tpu.memory_space<vmem>>
        %dma_start3A_455 = arith.constant 0 : i32
        %dma_start3A_456 = tpu.memref_slice %arg5[%add3A_219, %dma_start3A_455] : memref<144x128xi32, #tpu.memory_space<vmem>> -> memref<1x128xi32, #tpu.memory_space<vmem>>
        %dma_start3A_457 = tpu.memref_squeeze %dma_start3A_456 : memref<1x128xi32, #tpu.memory_space<vmem>> -> memref<128xi32, #tpu.memory_space<vmem>>
        %dma_start3A_458 = arith.constant 0 : i32
        %dma_start3A_459 = arith.constant 0 : i32
        %dma_start3A_460 = tpu.memref_slice %arg2[%dma_start3A_458, %dma_start3A_459] : memref<65536x128xf32, #tpu.memory_space<hbm>> -> memref<65536x128xf32, #tpu.memory_space<hbm>>
        tpu.enqueue_indirect_dma source(%dma_start3A_460 : memref<65536x128xf32, #tpu.memory_space<hbm>>) target(%dma_start3A_454 : memref<128x128xf32, #tpu.memory_space<vmem>>) offsets(%dma_start3A_457 : memref<128xi32, #tpu.memory_space<vmem>>) semaphore(%arg9 : memref<!tpu.dma_semaphore, #tpu.memory_space<semaphore_mem>>)
      } else {
      }
      %add3A_223 = arith.constant 1 : i32
      %add3A_224 = arith.addi %mul3A_186, %add3A_223 : i32
      %dma_wait3A_225 = arith.constant 1 : i32
      %dma_wait3A_226 = arith.constant 0 : i32
      %dma_wait3A_227 = arith.constant 0 : i32
      %dma_wait3A_228 = tpu.memref_slice %arg6[%dma_wait3A_225, %dma_wait3A_226, %dma_wait3A_227] : memref<6x128x128xf32, #tpu.memory_space<vmem>> -> memref<1x128x128xf32, #tpu.memory_space<vmem>>
      %dma_wait3A_229 = tpu.memref_squeeze %dma_wait3A_228 : memref<1x128x128xf32, #tpu.memory_space<vmem>> -> memref<128x128xf32, #tpu.memory_space<vmem>>
      %dma_wait3A_230 = arith.constant 0 : i32
      %dma_wait3A_231 = tpu.memref_slice %arg5[%add3A_224, %dma_wait3A_230] : memref<144x128xi32, #tpu.memory_space<vmem>> -> memref<1x128xi32, #tpu.memory_space<vmem>>
      %dma_wait3A_232 = tpu.memref_squeeze %dma_wait3A_231 : memref<1x128xi32, #tpu.memory_space<vmem>> -> memref<128xi32, #tpu.memory_space<vmem>>
      %dma_wait3A_233 = arith.constant 0 : i32
      %dma_wait3A_234 = arith.constant 0 : i32
      %dma_wait3A_235 = tpu.memref_slice %arg2[%dma_wait3A_233, %dma_wait3A_234] : memref<65536x128xf32, #tpu.memory_space<hbm>> -> memref<65536x128xf32, #tpu.memory_space<hbm>>
      tpu.wait_indirect_dma semaphore(%arg8 : memref<!tpu.dma_semaphore, #tpu.memory_space<semaphore_mem>>) src(%dma_wait3A_235 : memref<65536x128xf32, #tpu.memory_space<hbm>>) dst(%dma_wait3A_229 : memref<128x128xf32, #tpu.memory_space<vmem>>)
      %dma_start3A_236 = arith.constant 1 : i32
      %dma_start3A_237 = arith.constant 0 : i32
      %dma_start3A_238 = arith.constant 0 : i32
      %dma_start3A_239 = tpu.memref_slice %arg6[%dma_start3A_236, %dma_start3A_237, %dma_start3A_238] : memref<6x128x128xf32, #tpu.memory_space<vmem>> -> memref<1x128x128xf32, #tpu.memory_space<vmem>>
      %dma_start3A_240 = tpu.memref_squeeze %dma_start3A_239 : memref<1x128x128xf32, #tpu.memory_space<vmem>> -> memref<128x128xf32, #tpu.memory_space<vmem>>
      %dma_start3A_241 = arith.constant 0 : i32
      %dma_start3A_242 = arith.constant 0 : i32
      %dma_start3A_243 = tpu.memref_slice %arg4[%add3A, %add3A_224, %dma_start3A_241, %dma_start3A_242] : memref<32x144x128x128xf32, #tpu.memory_space<hbm>> -> memref<1x1x128x128xf32, #tpu.memory_space<hbm>>
      %dma_start3A_244 = tpu.memref_squeeze %dma_start3A_243 : memref<1x1x128x128xf32, #tpu.memory_space<hbm>> -> memref<128x128xf32, #tpu.memory_space<hbm>>
      %dma_start3A_245 = arith.constant 0 : i32
      %dma_start3A_246 = arith.constant 0 : i32
      %dma_start3A_247 = tpu.memref_slice %arg4[%add3A, %add3A_224, %dma_start3A_245, %dma_start3A_246] : memref<32x144x128x128xf32, #tpu.memory_space<hbm>> -> memref<1x1x128x128xf32, #tpu.memory_space<hbm>>
      %dma_start3A_248 = tpu.memref_squeeze %dma_start3A_247 : memref<1x1x128x128xf32, #tpu.memory_space<hbm>> -> memref<128x128xf32, #tpu.memory_space<hbm>>
      %dma_start3A_249 = arith.constant 0 : i32
      %dma_start3A_250 = arith.constant 0 : i32
      %dma_start3A_251 = tpu.memref_slice %arg6[%dma_start3A_236, %dma_start3A_249, %dma_start3A_250] : memref<6x128x128xf32, #tpu.memory_space<vmem>> -> memref<1x128x128xf32, #tpu.memory_space<vmem>>
      %dma_start3A_252 = tpu.memref_squeeze %dma_start3A_251 : memref<1x128x128xf32, #tpu.memory_space<vmem>> -> memref<128x128xf32, #tpu.memory_space<vmem>>
      tpu.enqueue_dma source(%dma_start3A_252 : memref<128x128xf32, #tpu.memory_space<vmem>>) target(%dma_start3A_248 : memref<128x128xf32, #tpu.memory_space<hbm>>) target_semaphore(%arg14 : memref<!tpu.dma_semaphore, #tpu.memory_space<semaphore_mem>>)
      %sub3A_253 = arith.constant 4 : i32
      %sub3A_254 = arith.subi %add3A_224, %sub3A_253 : i32
      %add3A_255 = arith.constant 6 : i32
      %add3A_256 = arith.addi %sub3A_254, %add3A_255 : i32
      %ge3A_257 = arith.constant 0 : i32
      %ge3A_258 = arith.cmpi sge, %sub3A_254, %ge3A_257 : i32
      %lt3A_259 = arith.constant 144 : i32
      %lt3A_260 = arith.cmpi slt, %add3A_256, %lt3A_259 : i32
      %and3A_261 = arith.andi %ge3A_258, %lt3A_260 : i1
      %convert_element_type3A_262 = arith.extui %and3A_261 : i1 to i32
      %cond3A_263 = arith.constant 0 : i32
      %cond3A_264 = arith.cmpi ne, %convert_element_type3A_262, %cond3A_263 : i32
      scf.if %cond3A_264 {
        %dma_wait3A_433 = arith.constant 3 : i32
        %dma_wait3A_434 = arith.constant 0 : i32
        %dma_wait3A_435 = arith.constant 0 : i32
        %dma_wait3A_436 = tpu.memref_slice %arg6[%dma_wait3A_433, %dma_wait3A_434, %dma_wait3A_435] : memref<6x128x128xf32, #tpu.memory_space<vmem>> -> memref<1x128x128xf32, #tpu.memory_space<vmem>>
        %dma_wait3A_437 = tpu.memref_squeeze %dma_wait3A_436 : memref<1x128x128xf32, #tpu.memory_space<vmem>> -> memref<128x128xf32, #tpu.memory_space<vmem>>
        %dma_wait3A_438 = arith.constant 0 : i32
        %dma_wait3A_439 = arith.constant 0 : i32
        %dma_wait3A_440 = tpu.memref_slice %arg4[%add3A, %sub3A_254, %dma_wait3A_438, %dma_wait3A_439] : memref<32x144x128x128xf32, #tpu.memory_space<hbm>> -> memref<1x1x128x128xf32, #tpu.memory_space<hbm>>
        %dma_wait3A_441 = tpu.memref_squeeze %dma_wait3A_440 : memref<1x1x128x128xf32, #tpu.memory_space<hbm>> -> memref<128x128xf32, #tpu.memory_space<hbm>>
        %dma_wait3A_442 = arith.constant 0 : i32
        %dma_wait3A_443 = arith.constant 0 : i32
        %dma_wait3A_444 = tpu.memref_slice %arg4[%add3A, %sub3A_254, %dma_wait3A_442, %dma_wait3A_443] : memref<32x144x128x128xf32, #tpu.memory_space<hbm>> -> memref<1x1x128x128xf32, #tpu.memory_space<hbm>>
        %dma_wait3A_445 = tpu.memref_squeeze %dma_wait3A_444 : memref<1x1x128x128xf32, #tpu.memory_space<hbm>> -> memref<128x128xf32, #tpu.memory_space<hbm>>
        %dma_wait3A_446 = arith.constant 0 : i32
        %dma_wait3A_447 = arith.constant 0 : i32
        %dma_wait3A_448 = tpu.memref_slice %arg6[%dma_wait3A_433, %dma_wait3A_446, %dma_wait3A_447] : memref<6x128x128xf32, #tpu.memory_space<vmem>> -> memref<1x128x128xf32, #tpu.memory_space<vmem>>
        %dma_wait3A_449 = tpu.memref_squeeze %dma_wait3A_448 : memref<1x128x128xf32, #tpu.memory_space<vmem>> -> memref<128x128xf32, #tpu.memory_space<vmem>>
        tpu.wait_dma2 semaphore(%arg16 : memref<!tpu.dma_semaphore, #tpu.memory_space<semaphore_mem>>) src(%dma_wait3A_449 : memref<128x128xf32, #tpu.memory_space<vmem>>) dst(%dma_wait3A_445 : memref<128x128xf32, #tpu.memory_space<hbm>>)
        %dma_start3A_450 = arith.constant 3 : i32
        %dma_start3A_451 = arith.constant 0 : i32
        %dma_start3A_452 = arith.constant 0 : i32
        %dma_start3A_453 = tpu.memref_slice %arg6[%dma_start3A_450, %dma_start3A_451, %dma_start3A_452] : memref<6x128x128xf32, #tpu.memory_space<vmem>> -> memref<1x128x128xf32, #tpu.memory_space<vmem>>
        %dma_start3A_454 = tpu.memref_squeeze %dma_start3A_453 : memref<1x128x128xf32, #tpu.memory_space<vmem>> -> memref<128x128xf32, #tpu.memory_space<vmem>>
        %dma_start3A_455 = arith.constant 0 : i32
        %dma_start3A_456 = tpu.memref_slice %arg5[%add3A_256, %dma_start3A_455] : memref<144x128xi32, #tpu.memory_space<vmem>> -> memref<1x128xi32, #tpu.memory_space<vmem>>
        %dma_start3A_457 = tpu.memref_squeeze %dma_start3A_456 : memref<1x128xi32, #tpu.memory_space<vmem>> -> memref<128xi32, #tpu.memory_space<vmem>>
        %dma_start3A_458 = arith.constant 0 : i32
        %dma_start3A_459 = arith.constant 0 : i32
        %dma_start3A_460 = tpu.memref_slice %arg2[%dma_start3A_458, %dma_start3A_459] : memref<65536x128xf32, #tpu.memory_space<hbm>> -> memref<65536x128xf32, #tpu.memory_space<hbm>>
        tpu.enqueue_indirect_dma source(%dma_start3A_460 : memref<65536x128xf32, #tpu.memory_space<hbm>>) target(%dma_start3A_454 : memref<128x128xf32, #tpu.memory_space<vmem>>) offsets(%dma_start3A_457 : memref<128xi32, #tpu.memory_space<vmem>>) semaphore(%arg10 : memref<!tpu.dma_semaphore, #tpu.memory_space<semaphore_mem>>)
      } else {
      }
      %add3A_265 = arith.constant 2 : i32
      %add3A_266 = arith.addi %mul3A_186, %add3A_265 : i32
      %dma_wait3A_267 = arith.constant 2 : i32
      %dma_wait3A_268 = arith.constant 0 : i32
      %dma_wait3A_269 = arith.constant 0 : i32
      %dma_wait3A_270 = tpu.memref_slice %arg6[%dma_wait3A_267, %dma_wait3A_268, %dma_wait3A_269] : memref<6x128x128xf32, #tpu.memory_space<vmem>> -> memref<1x128x128xf32, #tpu.memory_space<vmem>>
      %dma_wait3A_271 = tpu.memref_squeeze %dma_wait3A_270 : memref<1x128x128xf32, #tpu.memory_space<vmem>> -> memref<128x128xf32, #tpu.memory_space<vmem>>
      %dma_wait3A_272 = arith.constant 0 : i32
      %dma_wait3A_273 = tpu.memref_slice %arg5[%add3A_266, %dma_wait3A_272] : memref<144x128xi32, #tpu.memory_space<vmem>> -> memref<1x128xi32, #tpu.memory_space<vmem>>
      %dma_wait3A_274 = tpu.memref_squeeze %dma_wait3A_273 : memref<1x128xi32, #tpu.memory_space<vmem>> -> memref<128xi32, #tpu.memory_space<vmem>>
      %dma_wait3A_275 = arith.constant 0 : i32
      %dma_wait3A_276 = arith.constant 0 : i32
      %dma_wait3A_277 = tpu.memref_slice %arg2[%dma_wait3A_275, %dma_wait3A_276] : memref<65536x128xf32, #tpu.memory_space<hbm>> -> memref<65536x128xf32, #tpu.memory_space<hbm>>
      tpu.wait_indirect_dma semaphore(%arg9 : memref<!tpu.dma_semaphore, #tpu.memory_space<semaphore_mem>>) src(%dma_wait3A_277 : memref<65536x128xf32, #tpu.memory_space<hbm>>) dst(%dma_wait3A_271 : memref<128x128xf32, #tpu.memory_space<vmem>>)
      %dma_start3A_278 = arith.constant 2 : i32
      %dma_start3A_279 = arith.constant 0 : i32
      %dma_start3A_280 = arith.constant 0 : i32
      %dma_start3A_281 = tpu.memref_slice %arg6[%dma_start3A_278, %dma_start3A_279, %dma_start3A_280] : memref<6x128x128xf32, #tpu.memory_space<vmem>> -> memref<1x128x128xf32, #tpu.memory_space<vmem>>
      %dma_start3A_282 = tpu.memref_squeeze %dma_start3A_281 : memref<1x128x128xf32, #tpu.memory_space<vmem>> -> memref<128x128xf32, #tpu.memory_space<vmem>>
      %dma_start3A_283 = arith.constant 0 : i32
      %dma_start3A_284 = arith.constant 0 : i32
      %dma_start3A_285 = tpu.memref_slice %arg4[%add3A, %add3A_266, %dma_start3A_283, %dma_start3A_284] : memref<32x144x128x128xf32, #tpu.memory_space<hbm>> -> memref<1x1x128x128xf32, #tpu.memory_space<hbm>>
      %dma_start3A_286 = tpu.memref_squeeze %dma_start3A_285 : memref<1x1x128x128xf32, #tpu.memory_space<hbm>> -> memref<128x128xf32, #tpu.memory_space<hbm>>
      %dma_start3A_287 = arith.constant 0 : i32
      %dma_start3A_288 = arith.constant 0 : i32
      %dma_start3A_289 = tpu.memref_slice %arg4[%add3A, %add3A_266, %dma_start3A_287, %dma_start3A_288] : memref<32x144x128x128xf32, #tpu.memory_space<hbm>> -> memref<1x1x128x128xf32, #tpu.memory_space<hbm>>
      %dma_start3A_290 = tpu.memref_squeeze %dma_start3A_289 : memref<1x1x128x128xf32, #tpu.memory_space<hbm>> -> memref<128x128xf32, #tpu.memory_space<hbm>>
      %dma_start3A_291 = arith.constant 0 : i32
      %dma_start3A_292 = arith.constant 0 : i32
      %dma_start3A_293 = tpu.memref_slice %arg6[%dma_start3A_278, %dma_start3A_291, %dma_start3A_292] : memref<6x128x128xf32, #tpu.memory_space<vmem>> -> memref<1x128x128xf32, #tpu.memory_space<vmem>>
      %dma_start3A_294 = tpu.memref_squeeze %dma_start3A_293 : memref<1x128x128xf32, #tpu.memory_space<vmem>> -> memref<128x128xf32, #tpu.memory_space<vmem>>
      tpu.enqueue_dma source(%dma_start3A_294 : memref<128x128xf32, #tpu.memory_space<vmem>>) target(%dma_start3A_290 : memref<128x128xf32, #tpu.memory_space<hbm>>) target_semaphore(%arg15 : memref<!tpu.dma_semaphore, #tpu.memory_space<semaphore_mem>>)
      %sub3A_295 = arith.constant 4 : i32
      %sub3A_296 = arith.subi %add3A_266, %sub3A_295 : i32
      %add3A_297 = arith.constant 6 : i32
      %add3A_298 = arith.addi %sub3A_296, %add3A_297 : i32
      %ge3A_299 = arith.constant 0 : i32
      %ge3A_300 = arith.cmpi sge, %sub3A_296, %ge3A_299 : i32
      %lt3A_301 = arith.constant 144 : i32
      %lt3A_302 = arith.cmpi slt, %add3A_298, %lt3A_301 : i32
      %and3A_303 = arith.andi %ge3A_300, %lt3A_302 : i1
      %convert_element_type3A_304 = arith.extui %and3A_303 : i1 to i32
      %cond3A_305 = arith.constant 0 : i32
      %cond3A_306 = arith.cmpi ne, %convert_element_type3A_304, %cond3A_305 : i32
      scf.if %cond3A_306 {
        %dma_wait3A_433 = arith.constant 4 : i32
        %dma_wait3A_434 = arith.constant 0 : i32
        %dma_wait3A_435 = arith.constant 0 : i32
        %dma_wait3A_436 = tpu.memref_slice %arg6[%dma_wait3A_433, %dma_wait3A_434, %dma_wait3A_435] : memref<6x128x128xf32, #tpu.memory_space<vmem>> -> memref<1x128x128xf32, #tpu.memory_space<vmem>>
        %dma_wait3A_437 = tpu.memref_squeeze %dma_wait3A_436 : memref<1x128x128xf32, #tpu.memory_space<vmem>> -> memref<128x128xf32, #tpu.memory_space<vmem>>
        %dma_wait3A_438 = arith.constant 0 : i32
        %dma_wait3A_439 = arith.constant 0 : i32
        %dma_wait3A_440 = tpu.memref_slice %arg4[%add3A, %sub3A_296, %dma_wait3A_438, %dma_wait3A_439] : memref<32x144x128x128xf32, #tpu.memory_space<hbm>> -> memref<1x1x128x128xf32, #tpu.memory_space<hbm>>
        %dma_wait3A_441 = tpu.memref_squeeze %dma_wait3A_440 : memref<1x1x128x128xf32, #tpu.memory_space<hbm>> -> memref<128x128xf32, #tpu.memory_space<hbm>>
        %dma_wait3A_442 = arith.constant 0 : i32
        %dma_wait3A_443 = arith.constant 0 : i32
        %dma_wait3A_444 = tpu.memref_slice %arg4[%add3A, %sub3A_296, %dma_wait3A_442, %dma_wait3A_443] : memref<32x144x128x128xf32, #tpu.memory_space<hbm>> -> memref<1x1x128x128xf32, #tpu.memory_space<hbm>>
        %dma_wait3A_445 = tpu.memref_squeeze %dma_wait3A_444 : memref<1x1x128x128xf32, #tpu.memory_space<hbm>> -> memref<128x128xf32, #tpu.memory_space<hbm>>
        %dma_wait3A_446 = arith.constant 0 : i32
        %dma_wait3A_447 = arith.constant 0 : i32
        %dma_wait3A_448 = tpu.memref_slice %arg6[%dma_wait3A_433, %dma_wait3A_446, %dma_wait3A_447] : memref<6x128x128xf32, #tpu.memory_space<vmem>> -> memref<1x128x128xf32, #tpu.memory_space<vmem>>
        %dma_wait3A_449 = tpu.memref_squeeze %dma_wait3A_448 : memref<1x128x128xf32, #tpu.memory_space<vmem>> -> memref<128x128xf32, #tpu.memory_space<vmem>>
        tpu.wait_dma2 semaphore(%arg17 : memref<!tpu.dma_semaphore, #tpu.memory_space<semaphore_mem>>) src(%dma_wait3A_449 : memref<128x128xf32, #tpu.memory_space<vmem>>) dst(%dma_wait3A_445 : memref<128x128xf32, #tpu.memory_space<hbm>>)
        %dma_start3A_450 = arith.constant 4 : i32
        %dma_start3A_451 = arith.constant 0 : i32
        %dma_start3A_452 = arith.constant 0 : i32
        %dma_start3A_453 = tpu.memref_slice %arg6[%dma_start3A_450, %dma_start3A_451, %dma_start3A_452] : memref<6x128x128xf32, #tpu.memory_space<vmem>> -> memref<1x128x128xf32, #tpu.memory_space<vmem>>
        %dma_start3A_454 = tpu.memref_squeeze %dma_start3A_453 : memref<1x128x128xf32, #tpu.memory_space<vmem>> -> memref<128x128xf32, #tpu.memory_space<vmem>>
        %dma_start3A_455 = arith.constant 0 : i32
        %dma_start3A_456 = tpu.memref_slice %arg5[%add3A_298, %dma_start3A_455] : memref<144x128xi32, #tpu.memory_space<vmem>> -> memref<1x128xi32, #tpu.memory_space<vmem>>
        %dma_start3A_457 = tpu.memref_squeeze %dma_start3A_456 : memref<1x128xi32, #tpu.memory_space<vmem>> -> memref<128xi32, #tpu.memory_space<vmem>>
        %dma_start3A_458 = arith.constant 0 : i32
        %dma_start3A_459 = arith.constant 0 : i32
        %dma_start3A_460 = tpu.memref_slice %arg2[%dma_start3A_458, %dma_start3A_459] : memref<65536x128xf32, #tpu.memory_space<hbm>> -> memref<65536x128xf32, #tpu.memory_space<hbm>>
        tpu.enqueue_indirect_dma source(%dma_start3A_460 : memref<65536x128xf32, #tpu.memory_space<hbm>>) target(%dma_start3A_454 : memref<128x128xf32, #tpu.memory_space<vmem>>) offsets(%dma_start3A_457 : memref<128xi32, #tpu.memory_space<vmem>>) semaphore(%arg11 : memref<!tpu.dma_semaphore, #tpu.memory_space<semaphore_mem>>)
      } else {
      }
      %add3A_307 = arith.constant 3 : i32
      %add3A_308 = arith.addi %mul3A_186, %add3A_307 : i32
      %dma_wait3A_309 = arith.constant 3 : i32
      %dma_wait3A_310 = arith.constant 0 : i32
      %dma_wait3A_311 = arith.constant 0 : i32
      %dma_wait3A_312 = tpu.memref_slice %arg6[%dma_wait3A_309, %dma_wait3A_310, %dma_wait3A_311] : memref<6x128x128xf32, #tpu.memory_space<vmem>> -> memref<1x128x128xf32, #tpu.memory_space<vmem>>
      %dma_wait3A_313 = tpu.memref_squeeze %dma_wait3A_312 : memref<1x128x128xf32, #tpu.memory_space<vmem>> -> memref<128x128xf32, #tpu.memory_space<vmem>>
      %dma_wait3A_314 = arith.constant 0 : i32
      %dma_wait3A_315 = tpu.memref_slice %arg5[%add3A_308, %dma_wait3A_314] : memref<144x128xi32, #tpu.memory_space<vmem>> -> memref<1x128xi32, #tpu.memory_space<vmem>>
      %dma_wait3A_316 = tpu.memref_squeeze %dma_wait3A_315 : memref<1x128xi32, #tpu.memory_space<vmem>> -> memref<128xi32, #tpu.memory_space<vmem>>
      %dma_wait3A_317 = arith.constant 0 : i32
      %dma_wait3A_318 = arith.constant 0 : i32
      %dma_wait3A_319 = tpu.memref_slice %arg2[%dma_wait3A_317, %dma_wait3A_318] : memref<65536x128xf32, #tpu.memory_space<hbm>> -> memref<65536x128xf32, #tpu.memory_space<hbm>>
      tpu.wait_indirect_dma semaphore(%arg10 : memref<!tpu.dma_semaphore, #tpu.memory_space<semaphore_mem>>) src(%dma_wait3A_319 : memref<65536x128xf32, #tpu.memory_space<hbm>>) dst(%dma_wait3A_313 : memref<128x128xf32, #tpu.memory_space<vmem>>)
      %dma_start3A_320 = arith.constant 3 : i32
      %dma_start3A_321 = arith.constant 0 : i32
      %dma_start3A_322 = arith.constant 0 : i32
      %dma_start3A_323 = tpu.memref_slice %arg6[%dma_start3A_320, %dma_start3A_321, %dma_start3A_322] : memref<6x128x128xf32, #tpu.memory_space<vmem>> -> memref<1x128x128xf32, #tpu.memory_space<vmem>>
      %dma_start3A_324 = tpu.memref_squeeze %dma_start3A_323 : memref<1x128x128xf32, #tpu.memory_space<vmem>> -> memref<128x128xf32, #tpu.memory_space<vmem>>
      %dma_start3A_325 = arith.constant 0 : i32
      %dma_start3A_326 = arith.constant 0 : i32
      %dma_start3A_327 = tpu.memref_slice %arg4[%add3A, %add3A_308, %dma_start3A_325, %dma_start3A_326] : memref<32x144x128x128xf32, #tpu.memory_space<hbm>> -> memref<1x1x128x128xf32, #tpu.memory_space<hbm>>
      %dma_start3A_328 = tpu.memref_squeeze %dma_start3A_327 : memref<1x1x128x128xf32, #tpu.memory_space<hbm>> -> memref<128x128xf32, #tpu.memory_space<hbm>>
      %dma_start3A_329 = arith.constant 0 : i32
      %dma_start3A_330 = arith.constant 0 : i32
      %dma_start3A_331 = tpu.memref_slice %arg4[%add3A, %add3A_308, %dma_start3A_329, %dma_start3A_330] : memref<32x144x128x128xf32, #tpu.memory_space<hbm>> -> memref<1x1x128x128xf32, #tpu.memory_space<hbm>>
      %dma_start3A_332 = tpu.memref_squeeze %dma_start3A_331 : memref<1x1x128x128xf32, #tpu.memory_space<hbm>> -> memref<128x128xf32, #tpu.memory_space<hbm>>
      %dma_start3A_333 = arith.constant 0 : i32
      %dma_start3A_334 = arith.constant 0 : i32
      %dma_start3A_335 = tpu.memref_slice %arg6[%dma_start3A_320, %dma_start3A_333, %dma_start3A_334] : memref<6x128x128xf32, #tpu.memory_space<vmem>> -> memref<1x128x128xf32, #tpu.memory_space<vmem>>
      %dma_start3A_336 = tpu.memref_squeeze %dma_start3A_335 : memref<1x128x128xf32, #tpu.memory_space<vmem>> -> memref<128x128xf32, #tpu.memory_space<vmem>>
      tpu.enqueue_dma source(%dma_start3A_336 : memref<128x128xf32, #tpu.memory_space<vmem>>) target(%dma_start3A_332 : memref<128x128xf32, #tpu.memory_space<hbm>>) target_semaphore(%arg16 : memref<!tpu.dma_semaphore, #tpu.memory_space<semaphore_mem>>)
      %sub3A_337 = arith.constant 4 : i32
      %sub3A_338 = arith.subi %add3A_308, %sub3A_337 : i32
      %add3A_339 = arith.constant 6 : i32
      %add3A_340 = arith.addi %sub3A_338, %add3A_339 : i32
      %ge3A_341 = arith.constant 0 : i32
      %ge3A_342 = arith.cmpi sge, %sub3A_338, %ge3A_341 : i32
      %lt3A_343 = arith.constant 144 : i32
      %lt3A_344 = arith.cmpi slt, %add3A_340, %lt3A_343 : i32
      %and3A_345 = arith.andi %ge3A_342, %lt3A_344 : i1
      %convert_element_type3A_346 = arith.extui %and3A_345 : i1 to i32
      %cond3A_347 = arith.constant 0 : i32
      %cond3A_348 = arith.cmpi ne, %convert_element_type3A_346, %cond3A_347 : i32
      scf.if %cond3A_348 {
        %dma_wait3A_433 = arith.constant 5 : i32
        %dma_wait3A_434 = arith.constant 0 : i32
        %dma_wait3A_435 = arith.constant 0 : i32
        %dma_wait3A_436 = tpu.memref_slice %arg6[%dma_wait3A_433, %dma_wait3A_434, %dma_wait3A_435] : memref<6x128x128xf32, #tpu.memory_space<vmem>> -> memref<1x128x128xf32, #tpu.memory_space<vmem>>
        %dma_wait3A_437 = tpu.memref_squeeze %dma_wait3A_436 : memref<1x128x128xf32, #tpu.memory_space<vmem>> -> memref<128x128xf32, #tpu.memory_space<vmem>>
        %dma_wait3A_438 = arith.constant 0 : i32
        %dma_wait3A_439 = arith.constant 0 : i32
        %dma_wait3A_440 = tpu.memref_slice %arg4[%add3A, %sub3A_338, %dma_wait3A_438, %dma_wait3A_439] : memref<32x144x128x128xf32, #tpu.memory_space<hbm>> -> memref<1x1x128x128xf32, #tpu.memory_space<hbm>>
        %dma_wait3A_441 = tpu.memref_squeeze %dma_wait3A_440 : memref<1x1x128x128xf32, #tpu.memory_space<hbm>> -> memref<128x128xf32, #tpu.memory_space<hbm>>
        %dma_wait3A_442 = arith.constant 0 : i32
        %dma_wait3A_443 = arith.constant 0 : i32
        %dma_wait3A_444 = tpu.memref_slice %arg4[%add3A, %sub3A_338, %dma_wait3A_442, %dma_wait3A_443] : memref<32x144x128x128xf32, #tpu.memory_space<hbm>> -> memref<1x1x128x128xf32, #tpu.memory_space<hbm>>
        %dma_wait3A_445 = tpu.memref_squeeze %dma_wait3A_444 : memref<1x1x128x128xf32, #tpu.memory_space<hbm>> -> memref<128x128xf32, #tpu.memory_space<hbm>>
        %dma_wait3A_446 = arith.constant 0 : i32
        %dma_wait3A_447 = arith.constant 0 : i32
        %dma_wait3A_448 = tpu.memref_slice %arg6[%dma_wait3A_433, %dma_wait3A_446, %dma_wait3A_447] : memref<6x128x128xf32, #tpu.memory_space<vmem>> -> memref<1x128x128xf32, #tpu.memory_space<vmem>>
        %dma_wait3A_449 = tpu.memref_squeeze %dma_wait3A_448 : memref<1x128x128xf32, #tpu.memory_space<vmem>> -> memref<128x128xf32, #tpu.memory_space<vmem>>
        tpu.wait_dma2 semaphore(%arg18 : memref<!tpu.dma_semaphore, #tpu.memory_space<semaphore_mem>>) src(%dma_wait3A_449 : memref<128x128xf32, #tpu.memory_space<vmem>>) dst(%dma_wait3A_445 : memref<128x128xf32, #tpu.memory_space<hbm>>)
        %dma_start3A_450 = arith.constant 5 : i32
        %dma_start3A_451 = arith.constant 0 : i32
        %dma_start3A_452 = arith.constant 0 : i32
        %dma_start3A_453 = tpu.memref_slice %arg6[%dma_start3A_450, %dma_start3A_451, %dma_start3A_452] : memref<6x128x128xf32, #tpu.memory_space<vmem>> -> memref<1x128x128xf32, #tpu.memory_space<vmem>>
        %dma_start3A_454 = tpu.memref_squeeze %dma_start3A_453 : memref<1x128x128xf32, #tpu.memory_space<vmem>> -> memref<128x128xf32, #tpu.memory_space<vmem>>
        %dma_start3A_455 = arith.constant 0 : i32
        %dma_start3A_456 = tpu.memref_slice %arg5[%add3A_340, %dma_start3A_455] : memref<144x128xi32, #tpu.memory_space<vmem>> -> memref<1x128xi32, #tpu.memory_space<vmem>>
        %dma_start3A_457 = tpu.memref_squeeze %dma_start3A_456 : memref<1x128xi32, #tpu.memory_space<vmem>> -> memref<128xi32, #tpu.memory_space<vmem>>
        %dma_start3A_458 = arith.constant 0 : i32
        %dma_start3A_459 = arith.constant 0 : i32
        %dma_start3A_460 = tpu.memref_slice %arg2[%dma_start3A_458, %dma_start3A_459] : memref<65536x128xf32, #tpu.memory_space<hbm>> -> memref<65536x128xf32, #tpu.memory_space<hbm>>
        tpu.enqueue_indirect_dma source(%dma_start3A_460 : memref<65536x128xf32, #tpu.memory_space<hbm>>) target(%dma_start3A_454 : memref<128x128xf32, #tpu.memory_space<vmem>>) offsets(%dma_start3A_457 : memref<128xi32, #tpu.memory_space<vmem>>) semaphore(%arg12 : memref<!tpu.dma_semaphore, #tpu.memory_space<semaphore_mem>>)
      } else {
      }
      %add3A_349 = arith.constant 4 : i32
      %add3A_350 = arith.addi %mul3A_186, %add3A_349 : i32
      %dma_wait3A_351 = arith.constant 4 : i32
      %dma_wait3A_352 = arith.constant 0 : i32
      %dma_wait3A_353 = arith.constant 0 : i32
      %dma_wait3A_354 = tpu.memref_slice %arg6[%dma_wait3A_351, %dma_wait3A_352, %dma_wait3A_353] : memref<6x128x128xf32, #tpu.memory_space<vmem>> -> memref<1x128x128xf32, #tpu.memory_space<vmem>>
      %dma_wait3A_355 = tpu.memref_squeeze %dma_wait3A_354 : memref<1x128x128xf32, #tpu.memory_space<vmem>> -> memref<128x128xf32, #tpu.memory_space<vmem>>
      %dma_wait3A_356 = arith.constant 0 : i32
      %dma_wait3A_357 = tpu.memref_slice %arg5[%add3A_350, %dma_wait3A_356] : memref<144x128xi32, #tpu.memory_space<vmem>> -> memref<1x128xi32, #tpu.memory_space<vmem>>
      %dma_wait3A_358 = tpu.memref_squeeze %dma_wait3A_357 : memref<1x128xi32, #tpu.memory_space<vmem>> -> memref<128xi32, #tpu.memory_space<vmem>>
      %dma_wait3A_359 = arith.constant 0 : i32
      %dma_wait3A_360 = arith.constant 0 : i32
      %dma_wait3A_361 = tpu.memref_slice %arg2[%dma_wait3A_359, %dma_wait3A_360] : memref<65536x128xf32, #tpu.memory_space<hbm>> -> memref<65536x128xf32, #tpu.memory_space<hbm>>
      tpu.wait_indirect_dma semaphore(%arg11 : memref<!tpu.dma_semaphore, #tpu.memory_space<semaphore_mem>>) src(%dma_wait3A_361 : memref<65536x128xf32, #tpu.memory_space<hbm>>) dst(%dma_wait3A_355 : memref<128x128xf32, #tpu.memory_space<vmem>>)
      %dma_start3A_362 = arith.constant 4 : i32
      %dma_start3A_363 = arith.constant 0 : i32
      %dma_start3A_364 = arith.constant 0 : i32
      %dma_start3A_365 = tpu.memref_slice %arg6[%dma_start3A_362, %dma_start3A_363, %dma_start3A_364] : memref<6x128x128xf32, #tpu.memory_space<vmem>> -> memref<1x128x128xf32, #tpu.memory_space<vmem>>
      %dma_start3A_366 = tpu.memref_squeeze %dma_start3A_365 : memref<1x128x128xf32, #tpu.memory_space<vmem>> -> memref<128x128xf32, #tpu.memory_space<vmem>>
      %dma_start3A_367 = arith.constant 0 : i32
      %dma_start3A_368 = arith.constant 0 : i32
      %dma_start3A_369 = tpu.memref_slice %arg4[%add3A, %add3A_350, %dma_start3A_367, %dma_start3A_368] : memref<32x144x128x128xf32, #tpu.memory_space<hbm>> -> memref<1x1x128x128xf32, #tpu.memory_space<hbm>>
      %dma_start3A_370 = tpu.memref_squeeze %dma_start3A_369 : memref<1x1x128x128xf32, #tpu.memory_space<hbm>> -> memref<128x128xf32, #tpu.memory_space<hbm>>
      %dma_start3A_371 = arith.constant 0 : i32
      %dma_start3A_372 = arith.constant 0 : i32
      %dma_start3A_373 = tpu.memref_slice %arg4[%add3A, %add3A_350, %dma_start3A_371, %dma_start3A_372] : memref<32x144x128x128xf32, #tpu.memory_space<hbm>> -> memref<1x1x128x128xf32, #tpu.memory_space<hbm>>
      %dma_start3A_374 = tpu.memref_squeeze %dma_start3A_373 : memref<1x1x128x128xf32, #tpu.memory_space<hbm>> -> memref<128x128xf32, #tpu.memory_space<hbm>>
      %dma_start3A_375 = arith.constant 0 : i32
      %dma_start3A_376 = arith.constant 0 : i32
      %dma_start3A_377 = tpu.memref_slice %arg6[%dma_start3A_362, %dma_start3A_375, %dma_start3A_376] : memref<6x128x128xf32, #tpu.memory_space<vmem>> -> memref<1x128x128xf32, #tpu.memory_space<vmem>>
      %dma_start3A_378 = tpu.memref_squeeze %dma_start3A_377 : memref<1x128x128xf32, #tpu.memory_space<vmem>> -> memref<128x128xf32, #tpu.memory_space<vmem>>
      tpu.enqueue_dma source(%dma_start3A_378 : memref<128x128xf32, #tpu.memory_space<vmem>>) target(%dma_start3A_374 : memref<128x128xf32, #tpu.memory_space<hbm>>) target_semaphore(%arg17 : memref<!tpu.dma_semaphore, #tpu.memory_space<semaphore_mem>>)
      %sub3A_379 = arith.constant 4 : i32
      %sub3A_380 = arith.subi %add3A_350, %sub3A_379 : i32
      %add3A_381 = arith.constant 6 : i32
      %add3A_382 = arith.addi %sub3A_380, %add3A_381 : i32
      %ge3A_383 = arith.constant 0 : i32
      %ge3A_384 = arith.cmpi sge, %sub3A_380, %ge3A_383 : i32
      %lt3A_385 = arith.constant 144 : i32
      %lt3A_386 = arith.cmpi slt, %add3A_382, %lt3A_385 : i32
      %and3A_387 = arith.andi %ge3A_384, %lt3A_386 : i1
      %convert_element_type3A_388 = arith.extui %and3A_387 : i1 to i32
      %cond3A_389 = arith.constant 0 : i32
      %cond3A_390 = arith.cmpi ne, %convert_element_type3A_388, %cond3A_389 : i32
      scf.if %cond3A_390 {
        %dma_wait3A_433 = arith.constant 0 : i32
        %dma_wait3A_434 = arith.constant 0 : i32
        %dma_wait3A_435 = arith.constant 0 : i32
        %dma_wait3A_436 = tpu.memref_slice %arg6[%dma_wait3A_433, %dma_wait3A_434, %dma_wait3A_435] : memref<6x128x128xf32, #tpu.memory_space<vmem>> -> memref<1x128x128xf32, #tpu.memory_space<vmem>>
        %dma_wait3A_437 = tpu.memref_squeeze %dma_wait3A_436 : memref<1x128x128xf32, #tpu.memory_space<vmem>> -> memref<128x128xf32, #tpu.memory_space<vmem>>
        %dma_wait3A_438 = arith.constant 0 : i32
        %dma_wait3A_439 = arith.constant 0 : i32
        %dma_wait3A_440 = tpu.memref_slice %arg4[%add3A, %sub3A_380, %dma_wait3A_438, %dma_wait3A_439] : memref<32x144x128x128xf32, #tpu.memory_space<hbm>> -> memref<1x1x128x128xf32, #tpu.memory_space<hbm>>
        %dma_wait3A_441 = tpu.memref_squeeze %dma_wait3A_440 : memref<1x1x128x128xf32, #tpu.memory_space<hbm>> -> memref<128x128xf32, #tpu.memory_space<hbm>>
        %dma_wait3A_442 = arith.constant 0 : i32
        %dma_wait3A_443 = arith.constant 0 : i32
        %dma_wait3A_444 = tpu.memref_slice %arg4[%add3A, %sub3A_380, %dma_wait3A_442, %dma_wait3A_443] : memref<32x144x128x128xf32, #tpu.memory_space<hbm>> -> memref<1x1x128x128xf32, #tpu.memory_space<hbm>>
        %dma_wait3A_445 = tpu.memref_squeeze %dma_wait3A_444 : memref<1x1x128x128xf32, #tpu.memory_space<hbm>> -> memref<128x128xf32, #tpu.memory_space<hbm>>
        %dma_wait3A_446 = arith.constant 0 : i32
        %dma_wait3A_447 = arith.constant 0 : i32
        %dma_wait3A_448 = tpu.memref_slice %arg6[%dma_wait3A_433, %dma_wait3A_446, %dma_wait3A_447] : memref<6x128x128xf32, #tpu.memory_space<vmem>> -> memref<1x128x128xf32, #tpu.memory_space<vmem>>
        %dma_wait3A_449 = tpu.memref_squeeze %dma_wait3A_448 : memref<1x128x128xf32, #tpu.memory_space<vmem>> -> memref<128x128xf32, #tpu.memory_space<vmem>>
        tpu.wait_dma2 semaphore(%arg13 : memref<!tpu.dma_semaphore, #tpu.memory_space<semaphore_mem>>) src(%dma_wait3A_449 : memref<128x128xf32, #tpu.memory_space<vmem>>) dst(%dma_wait3A_445 : memref<128x128xf32, #tpu.memory_space<hbm>>)
        %dma_start3A_450 = arith.constant 0 : i32
        %dma_start3A_451 = arith.constant 0 : i32
        %dma_start3A_452 = arith.constant 0 : i32
        %dma_start3A_453 = tpu.memref_slice %arg6[%dma_start3A_450, %dma_start3A_451, %dma_start3A_452] : memref<6x128x128xf32, #tpu.memory_space<vmem>> -> memref<1x128x128xf32, #tpu.memory_space<vmem>>
        %dma_start3A_454 = tpu.memref_squeeze %dma_start3A_453 : memref<1x128x128xf32, #tpu.memory_space<vmem>> -> memref<128x128xf32, #tpu.memory_space<vmem>>
        %dma_start3A_455 = arith.constant 0 : i32
        %dma_start3A_456 = tpu.memref_slice %arg5[%add3A_382, %dma_start3A_455] : memref<144x128xi32, #tpu.memory_space<vmem>> -> memref<1x128xi32, #tpu.memory_space<vmem>>
        %dma_start3A_457 = tpu.memref_squeeze %dma_start3A_456 : memref<1x128xi32, #tpu.memory_space<vmem>> -> memref<128xi32, #tpu.memory_space<vmem>>
        %dma_start3A_458 = arith.constant 0 : i32
        %dma_start3A_459 = arith.constant 0 : i32
        %dma_start3A_460 = tpu.memref_slice %arg2[%dma_start3A_458, %dma_start3A_459] : memref<65536x128xf32, #tpu.memory_space<hbm>> -> memref<65536x128xf32, #tpu.memory_space<hbm>>
        tpu.enqueue_indirect_dma source(%dma_start3A_460 : memref<65536x128xf32, #tpu.memory_space<hbm>>) target(%dma_start3A_454 : memref<128x128xf32, #tpu.memory_space<vmem>>) offsets(%dma_start3A_457 : memref<128xi32, #tpu.memory_space<vmem>>) semaphore(%arg7 : memref<!tpu.dma_semaphore, #tpu.memory_space<semaphore_mem>>)
      } else {
      }
      %add3A_391 = arith.constant 5 : i32
      %add3A_392 = arith.addi %mul3A_186, %add3A_391 : i32
      %dma_wait3A_393 = arith.constant 5 : i32
      %dma_wait3A_394 = arith.constant 0 : i32
      %dma_wait3A_395 = arith.constant 0 : i32
      %dma_wait3A_396 = tpu.memref_slice %arg6[%dma_wait3A_393, %dma_wait3A_394, %dma_wait3A_395] : memref<6x128x128xf32, #tpu.memory_space<vmem>> -> memref<1x128x128xf32, #tpu.memory_space<vmem>>
      %dma_wait3A_397 = tpu.memref_squeeze %dma_wait3A_396 : memref<1x128x128xf32, #tpu.memory_space<vmem>> -> memref<128x128xf32, #tpu.memory_space<vmem>>
      %dma_wait3A_398 = arith.constant 0 : i32
      %dma_wait3A_399 = tpu.memref_slice %arg5[%add3A_392, %dma_wait3A_398] : memref<144x128xi32, #tpu.memory_space<vmem>> -> memref<1x128xi32, #tpu.memory_space<vmem>>
      %dma_wait3A_400 = tpu.memref_squeeze %dma_wait3A_399 : memref<1x128xi32, #tpu.memory_space<vmem>> -> memref<128xi32, #tpu.memory_space<vmem>>
      %dma_wait3A_401 = arith.constant 0 : i32
      %dma_wait3A_402 = arith.constant 0 : i32
      %dma_wait3A_403 = tpu.memref_slice %arg2[%dma_wait3A_401, %dma_wait3A_402] : memref<65536x128xf32, #tpu.memory_space<hbm>> -> memref<65536x128xf32, #tpu.memory_space<hbm>>
      tpu.wait_indirect_dma semaphore(%arg12 : memref<!tpu.dma_semaphore, #tpu.memory_space<semaphore_mem>>) src(%dma_wait3A_403 : memref<65536x128xf32, #tpu.memory_space<hbm>>) dst(%dma_wait3A_397 : memref<128x128xf32, #tpu.memory_space<vmem>>)
      %dma_start3A_404 = arith.constant 5 : i32
      %dma_start3A_405 = arith.constant 0 : i32
      %dma_start3A_406 = arith.constant 0 : i32
      %dma_start3A_407 = tpu.memref_slice %arg6[%dma_start3A_404, %dma_start3A_405, %dma_start3A_406] : memref<6x128x128xf32, #tpu.memory_space<vmem>> -> memref<1x128x128xf32, #tpu.memory_space<vmem>>
      %dma_start3A_408 = tpu.memref_squeeze %dma_start3A_407 : memref<1x128x128xf32, #tpu.memory_space<vmem>> -> memref<128x128xf32, #tpu.memory_space<vmem>>
      %dma_start3A_409 = arith.constant 0 : i32
      %dma_start3A_410 = arith.constant 0 : i32
      %dma_start3A_411 = tpu.memref_slice %arg4[%add3A, %add3A_392, %dma_start3A_409, %dma_start3A_410] : memref<32x144x128x128xf32, #tpu.memory_space<hbm>> -> memref<1x1x128x128xf32, #tpu.memory_space<hbm>>
      %dma_start3A_412 = tpu.memref_squeeze %dma_start3A_411 : memref<1x1x128x128xf32, #tpu.memory_space<hbm>> -> memref<128x128xf32, #tpu.memory_space<hbm>>
      %dma_start3A_413 = arith.constant 0 : i32
      %dma_start3A_414 = arith.constant 0 : i32
      %dma_start3A_415 = tpu.memref_slice %arg4[%add3A, %add3A_392, %dma_start3A_413, %dma_start3A_414] : memref<32x144x128x128xf32, #tpu.memory_space<hbm>> -> memref<1x1x128x128xf32, #tpu.memory_space<hbm>>
      %dma_start3A_416 = tpu.memref_squeeze %dma_start3A_415 : memref<1x1x128x128xf32, #tpu.memory_space<hbm>> -> memref<128x128xf32, #tpu.memory_space<hbm>>
      %dma_start3A_417 = arith.constant 0 : i32
      %dma_start3A_418 = arith.constant 0 : i32
      %dma_start3A_419 = tpu.memref_slice %arg6[%dma_start3A_404, %dma_start3A_417, %dma_start3A_418] : memref<6x128x128xf32, #tpu.memory_space<vmem>> -> memref<1x128x128xf32, #tpu.memory_space<vmem>>
      %dma_start3A_420 = tpu.memref_squeeze %dma_start3A_419 : memref<1x128x128xf32, #tpu.memory_space<vmem>> -> memref<128x128xf32, #tpu.memory_space<vmem>>
      tpu.enqueue_dma source(%dma_start3A_420 : memref<128x128xf32, #tpu.memory_space<vmem>>) target(%dma_start3A_416 : memref<128x128xf32, #tpu.memory_space<hbm>>) target_semaphore(%arg18 : memref<!tpu.dma_semaphore, #tpu.memory_space<semaphore_mem>>)
      %sub3A_421 = arith.constant 4 : i32
      %sub3A_422 = arith.subi %add3A_392, %sub3A_421 : i32
      %add3A_423 = arith.constant 6 : i32
      %add3A_424 = arith.addi %sub3A_422, %add3A_423 : i32
      %ge3A_425 = arith.constant 0 : i32
      %ge3A_426 = arith.cmpi sge, %sub3A_422, %ge3A_425 : i32
      %lt3A_427 = arith.constant 144 : i32
      %lt3A_428 = arith.cmpi slt, %add3A_424, %lt3A_427 : i32
      %and3A_429 = arith.andi %ge3A_426, %lt3A_428 : i1
      %convert_element_type3A_430 = arith.extui %and3A_429 : i1 to i32
      %cond3A_431 = arith.constant 0 : i32
      %cond3A_432 = arith.cmpi ne, %convert_element_type3A_430, %cond3A_431 : i32
      scf.if %cond3A_432 {
        %dma_wait3A_433 = arith.constant 1 : i32
        %dma_wait3A_434 = arith.constant 0 : i32
        %dma_wait3A_435 = arith.constant 0 : i32
        %dma_wait3A_436 = tpu.memref_slice %arg6[%dma_wait3A_433, %dma_wait3A_434, %dma_wait3A_435] : memref<6x128x128xf32, #tpu.memory_space<vmem>> -> memref<1x128x128xf32, #tpu.memory_space<vmem>>
        %dma_wait3A_437 = tpu.memref_squeeze %dma_wait3A_436 : memref<1x128x128xf32, #tpu.memory_space<vmem>> -> memref<128x128xf32, #tpu.memory_space<vmem>>
        %dma_wait3A_438 = arith.constant 0 : i32
        %dma_wait3A_439 = arith.constant 0 : i32
        %dma_wait3A_440 = tpu.memref_slice %arg4[%add3A, %sub3A_422, %dma_wait3A_438, %dma_wait3A_439] : memref<32x144x128x128xf32, #tpu.memory_space<hbm>> -> memref<1x1x128x128xf32, #tpu.memory_space<hbm>>
        %dma_wait3A_441 = tpu.memref_squeeze %dma_wait3A_440 : memref<1x1x128x128xf32, #tpu.memory_space<hbm>> -> memref<128x128xf32, #tpu.memory_space<hbm>>
        %dma_wait3A_442 = arith.constant 0 : i32
        %dma_wait3A_443 = arith.constant 0 : i32
        %dma_wait3A_444 = tpu.memref_slice %arg4[%add3A, %sub3A_422, %dma_wait3A_442, %dma_wait3A_443] : memref<32x144x128x128xf32, #tpu.memory_space<hbm>> -> memref<1x1x128x128xf32, #tpu.memory_space<hbm>>
        %dma_wait3A_445 = tpu.memref_squeeze %dma_wait3A_444 : memref<1x1x128x128xf32, #tpu.memory_space<hbm>> -> memref<128x128xf32, #tpu.memory_space<hbm>>
        %dma_wait3A_446 = arith.constant 0 : i32
        %dma_wait3A_447 = arith.constant 0 : i32
        %dma_wait3A_448 = tpu.memref_slice %arg6[%dma_wait3A_433, %dma_wait3A_446, %dma_wait3A_447] : memref<6x128x128xf32, #tpu.memory_space<vmem>> -> memref<1x128x128xf32, #tpu.memory_space<vmem>>
        %dma_wait3A_449 = tpu.memref_squeeze %dma_wait3A_448 : memref<1x128x128xf32, #tpu.memory_space<vmem>> -> memref<128x128xf32, #tpu.memory_space<vmem>>
        tpu.wait_dma2 semaphore(%arg14 : memref<!tpu.dma_semaphore, #tpu.memory_space<semaphore_mem>>) src(%dma_wait3A_449 : memref<128x128xf32, #tpu.memory_space<vmem>>) dst(%dma_wait3A_445 : memref<128x128xf32, #tpu.memory_space<hbm>>)
        %dma_start3A_450 = arith.constant 1 : i32
        %dma_start3A_451 = arith.constant 0 : i32
        %dma_start3A_452 = arith.constant 0 : i32
        %dma_start3A_453 = tpu.memref_slice %arg6[%dma_start3A_450, %dma_start3A_451, %dma_start3A_452] : memref<6x128x128xf32, #tpu.memory_space<vmem>> -> memref<1x128x128xf32, #tpu.memory_space<vmem>>
        %dma_start3A_454 = tpu.memref_squeeze %dma_start3A_453 : memref<1x128x128xf32, #tpu.memory_space<vmem>> -> memref<128x128xf32, #tpu.memory_space<vmem>>
        %dma_start3A_455 = arith.constant 0 : i32
        %dma_start3A_456 = tpu.memref_slice %arg5[%add3A_424, %dma_start3A_455] : memref<144x128xi32, #tpu.memory_space<vmem>> -> memref<1x128xi32, #tpu.memory_space<vmem>>
        %dma_start3A_457 = tpu.memref_squeeze %dma_start3A_456 : memref<1x128xi32, #tpu.memory_space<vmem>> -> memref<128xi32, #tpu.memory_space<vmem>>
        %dma_start3A_458 = arith.constant 0 : i32
        %dma_start3A_459 = arith.constant 0 : i32
        %dma_start3A_460 = tpu.memref_slice %arg2[%dma_start3A_458, %dma_start3A_459] : memref<65536x128xf32, #tpu.memory_space<hbm>> -> memref<65536x128xf32, #tpu.memory_space<hbm>>
        tpu.enqueue_indirect_dma source(%dma_start3A_460 : memref<65536x128xf32, #tpu.memory_space<hbm>>) target(%dma_start3A_454 : memref<128x128xf32, #tpu.memory_space<vmem>>) offsets(%dma_start3A_457 : memref<128xi32, #tpu.memory_space<vmem>>) semaphore(%arg8 : memref<!tpu.dma_semaphore, #tpu.memory_space<semaphore_mem>>)
      } else {
      }
    }
    %scan3A_76 = arith.constant 24 : i32
    %dma_wait3A = arith.constant 0 : i32
    %dma_wait3A_77 = arith.constant 138 : i32
    %dma_wait3A_78 = arith.constant 0 : i32
    %dma_wait3A_79 = arith.constant 0 : i32
    %dma_wait3A_80 = tpu.memref_slice %arg6[%dma_wait3A, %dma_wait3A_78, %dma_wait3A_79] : memref<6x128x128xf32, #tpu.memory_space<vmem>> -> memref<1x128x128xf32, #tpu.memory_space<vmem>>
    %dma_wait3A_81 = tpu.memref_squeeze %dma_wait3A_80 : memref<1x128x128xf32, #tpu.memory_space<vmem>> -> memref<128x128xf32, #tpu.memory_space<vmem>>
    %dma_wait3A_82 = arith.constant 0 : i32
    %dma_wait3A_83 = arith.constant 0 : i32
    %dma_wait3A_84 = tpu.memref_slice %arg4[%add3A, %dma_wait3A_77, %dma_wait3A_82, %dma_wait3A_83] : memref<32x144x128x128xf32, #tpu.memory_space<hbm>> -> memref<1x1x128x128xf32, #tpu.memory_space<hbm>>
    %dma_wait3A_85 = tpu.memref_squeeze %dma_wait3A_84 : memref<1x1x128x128xf32, #tpu.memory_space<hbm>> -> memref<128x128xf32, #tpu.memory_space<hbm>>
    %dma_wait3A_86 = arith.constant 0 : i32
    %dma_wait3A_87 = arith.constant 0 : i32
    %dma_wait3A_88 = tpu.memref_slice %arg4[%add3A, %dma_wait3A_77, %dma_wait3A_86, %dma_wait3A_87] : memref<32x144x128x128xf32, #tpu.memory_space<hbm>> -> memref<1x1x128x128xf32, #tpu.memory_space<hbm>>
    %dma_wait3A_89 = tpu.memref_squeeze %dma_wait3A_88 : memref<1x1x128x128xf32, #tpu.memory_space<hbm>> -> memref<128x128xf32, #tpu.memory_space<hbm>>
    %dma_wait3A_90 = arith.constant 0 : i32
    %dma_wait3A_91 = arith.constant 0 : i32
    %dma_wait3A_92 = tpu.memref_slice %arg6[%dma_wait3A, %dma_wait3A_90, %dma_wait3A_91] : memref<6x128x128xf32, #tpu.memory_space<vmem>> -> memref<1x128x128xf32, #tpu.memory_space<vmem>>
    %dma_wait3A_93 = tpu.memref_squeeze %dma_wait3A_92 : memref<1x128x128xf32, #tpu.memory_space<vmem>> -> memref<128x128xf32, #tpu.memory_space<vmem>>
    tpu.wait_dma2 semaphore(%arg13 : memref<!tpu.dma_semaphore, #tpu.memory_space<semaphore_mem>>) src(%dma_wait3A_93 : memref<128x128xf32, #tpu.memory_space<vmem>>) dst(%dma_wait3A_89 : memref<128x128xf32, #tpu.memory_space<hbm>>)
    %dma_wait3A_94 = arith.constant 1 : i32
    %dma_wait3A_95 = arith.constant 139 : i32
    %dma_wait3A_96 = arith.constant 0 : i32
    %dma_wait3A_97 = arith.constant 0 : i32
    %dma_wait3A_98 = tpu.memref_slice %arg6[%dma_wait3A_94, %dma_wait3A_96, %dma_wait3A_97] : memref<6x128x128xf32, #tpu.memory_space<vmem>> -> memref<1x128x128xf32, #tpu.memory_space<vmem>>
    %dma_wait3A_99 = tpu.memref_squeeze %dma_wait3A_98 : memref<1x128x128xf32, #tpu.memory_space<vmem>> -> memref<128x128xf32, #tpu.memory_space<vmem>>
    %dma_wait3A_100 = arith.constant 0 : i32
    %dma_wait3A_101 = arith.constant 0 : i32
    %dma_wait3A_102 = tpu.memref_slice %arg4[%add3A, %dma_wait3A_95, %dma_wait3A_100, %dma_wait3A_101] : memref<32x144x128x128xf32, #tpu.memory_space<hbm>> -> memref<1x1x128x128xf32, #tpu.memory_space<hbm>>
    %dma_wait3A_103 = tpu.memref_squeeze %dma_wait3A_102 : memref<1x1x128x128xf32, #tpu.memory_space<hbm>> -> memref<128x128xf32, #tpu.memory_space<hbm>>
    %dma_wait3A_104 = arith.constant 0 : i32
    %dma_wait3A_105 = arith.constant 0 : i32
    %dma_wait3A_106 = tpu.memref_slice %arg4[%add3A, %dma_wait3A_95, %dma_wait3A_104, %dma_wait3A_105] : memref<32x144x128x128xf32, #tpu.memory_space<hbm>> -> memref<1x1x128x128xf32, #tpu.memory_space<hbm>>
    %dma_wait3A_107 = tpu.memref_squeeze %dma_wait3A_106 : memref<1x1x128x128xf32, #tpu.memory_space<hbm>> -> memref<128x128xf32, #tpu.memory_space<hbm>>
    %dma_wait3A_108 = arith.constant 0 : i32
    %dma_wait3A_109 = arith.constant 0 : i32
    %dma_wait3A_110 = tpu.memref_slice %arg6[%dma_wait3A_94, %dma_wait3A_108, %dma_wait3A_109] : memref<6x128x128xf32, #tpu.memory_space<vmem>> -> memref<1x128x128xf32, #tpu.memory_space<vmem>>
    %dma_wait3A_111 = tpu.memref_squeeze %dma_wait3A_110 : memref<1x128x128xf32, #tpu.memory_space<vmem>> -> memref<128x128xf32, #tpu.memory_space<vmem>>
    tpu.wait_dma2 semaphore(%arg14 : memref<!tpu.dma_semaphore, #tpu.memory_space<semaphore_mem>>) src(%dma_wait3A_111 : memref<128x128xf32, #tpu.memory_space<vmem>>) dst(%dma_wait3A_107 : memref<128x128xf32, #tpu.memory_space<hbm>>)
    %dma_wait3A_112 = arith.constant 2 : i32
    %dma_wait3A_113 = arith.constant 140 : i32
    %dma_wait3A_114 = arith.constant 0 : i32
    %dma_wait3A_115 = arith.constant 0 : i32
    %dma_wait3A_116 = tpu.memref_slice %arg6[%dma_wait3A_112, %dma_wait3A_114, %dma_wait3A_115] : memref<6x128x128xf32, #tpu.memory_space<vmem>> -> memref<1x128x128xf32, #tpu.memory_space<vmem>>
    %dma_wait3A_117 = tpu.memref_squeeze %dma_wait3A_116 : memref<1x128x128xf32, #tpu.memory_space<vmem>> -> memref<128x128xf32, #tpu.memory_space<vmem>>
    %dma_wait3A_118 = arith.constant 0 : i32
    %dma_wait3A_119 = arith.constant 0 : i32
    %dma_wait3A_120 = tpu.memref_slice %arg4[%add3A, %dma_wait3A_113, %dma_wait3A_118, %dma_wait3A_119] : memref<32x144x128x128xf32, #tpu.memory_space<hbm>> -> memref<1x1x128x128xf32, #tpu.memory_space<hbm>>
    %dma_wait3A_121 = tpu.memref_squeeze %dma_wait3A_120 : memref<1x1x128x128xf32, #tpu.memory_space<hbm>> -> memref<128x128xf32, #tpu.memory_space<hbm>>
    %dma_wait3A_122 = arith.constant 0 : i32
    %dma_wait3A_123 = arith.constant 0 : i32
    %dma_wait3A_124 = tpu.memref_slice %arg4[%add3A, %dma_wait3A_113, %dma_wait3A_122, %dma_wait3A_123] : memref<32x144x128x128xf32, #tpu.memory_space<hbm>> -> memref<1x1x128x128xf32, #tpu.memory_space<hbm>>
    %dma_wait3A_125 = tpu.memref_squeeze %dma_wait3A_124 : memref<1x1x128x128xf32, #tpu.memory_space<hbm>> -> memref<128x128xf32, #tpu.memory_space<hbm>>
    %dma_wait3A_126 = arith.constant 0 : i32
    %dma_wait3A_127 = arith.constant 0 : i32
    %dma_wait3A_128 = tpu.memref_slice %arg6[%dma_wait3A_112, %dma_wait3A_126, %dma_wait3A_127] : memref<6x128x128xf32, #tpu.memory_space<vmem>> -> memref<1x128x128xf32, #tpu.memory_space<vmem>>
    %dma_wait3A_129 = tpu.memref_squeeze %dma_wait3A_128 : memref<1x128x128xf32, #tpu.memory_space<vmem>> -> memref<128x128xf32, #tpu.memory_space<vmem>>
    tpu.wait_dma2 semaphore(%arg15 : memref<!tpu.dma_semaphore, #tpu.memory_space<semaphore_mem>>) src(%dma_wait3A_129 : memref<128x128xf32, #tpu.memory_space<vmem>>) dst(%dma_wait3A_125 : memref<128x128xf32, #tpu.memory_space<hbm>>)
    %dma_wait3A_130 = arith.constant 3 : i32
    %dma_wait3A_131 = arith.constant 141 : i32
    %dma_wait3A_132 = arith.constant 0 : i32
    %dma_wait3A_133 = arith.constant 0 : i32
    %dma_wait3A_134 = tpu.memref_slice %arg6[%dma_wait3A_130, %dma_wait3A_132, %dma_wait3A_133] : memref<6x128x128xf32, #tpu.memory_space<vmem>> -> memref<1x128x128xf32, #tpu.memory_space<vmem>>
    %dma_wait3A_135 = tpu.memref_squeeze %dma_wait3A_134 : memref<1x128x128xf32, #tpu.memory_space<vmem>> -> memref<128x128xf32, #tpu.memory_space<vmem>>
    %dma_wait3A_136 = arith.constant 0 : i32
    %dma_wait3A_137 = arith.constant 0 : i32
    %dma_wait3A_138 = tpu.memref_slice %arg4[%add3A, %dma_wait3A_131, %dma_wait3A_136, %dma_wait3A_137] : memref<32x144x128x128xf32, #tpu.memory_space<hbm>> -> memref<1x1x128x128xf32, #tpu.memory_space<hbm>>
    %dma_wait3A_139 = tpu.memref_squeeze %dma_wait3A_138 : memref<1x1x128x128xf32, #tpu.memory_space<hbm>> -> memref<128x128xf32, #tpu.memory_space<hbm>>
    %dma_wait3A_140 = arith.constant 0 : i32
    %dma_wait3A_141 = arith.constant 0 : i32
    %dma_wait3A_142 = tpu.memref_slice %arg4[%add3A, %dma_wait3A_131, %dma_wait3A_140, %dma_wait3A_141] : memref<32x144x128x128xf32, #tpu.memory_space<hbm>> -> memref<1x1x128x128xf32, #tpu.memory_space<hbm>>
    %dma_wait3A_143 = tpu.memref_squeeze %dma_wait3A_142 : memref<1x1x128x128xf32, #tpu.memory_space<hbm>> -> memref<128x128xf32, #tpu.memory_space<hbm>>
    %dma_wait3A_144 = arith.constant 0 : i32
    %dma_wait3A_145 = arith.constant 0 : i32
    %dma_wait3A_146 = tpu.memref_slice %arg6[%dma_wait3A_130, %dma_wait3A_144, %dma_wait3A_145] : memref<6x128x128xf32, #tpu.memory_space<vmem>> -> memref<1x128x128xf32, #tpu.memory_space<vmem>>
    %dma_wait3A_147 = tpu.memref_squeeze %dma_wait3A_146 : memref<1x128x128xf32, #tpu.memory_space<vmem>> -> memref<128x128xf32, #tpu.memory_space<vmem>>
    tpu.wait_dma2 semaphore(%arg16 : memref<!tpu.dma_semaphore, #tpu.memory_space<semaphore_mem>>) src(%dma_wait3A_147 : memref<128x128xf32, #tpu.memory_space<vmem>>) dst(%dma_wait3A_143 : memref<128x128xf32, #tpu.memory_space<hbm>>)
    %dma_wait3A_148 = arith.constant 4 : i32
    %dma_wait3A_149 = arith.constant 142 : i32
    %dma_wait3A_150 = arith.constant 0 : i32
    %dma_wait3A_151 = arith.constant 0 : i32
    %dma_wait3A_152 = tpu.memref_slice %arg6[%dma_wait3A_148, %dma_wait3A_150, %dma_wait3A_151] : memref<6x128x128xf32, #tpu.memory_space<vmem>> -> memref<1x128x128xf32, #tpu.memory_space<vmem>>
    %dma_wait3A_153 = tpu.memref_squeeze %dma_wait3A_152 : memref<1x128x128xf32, #tpu.memory_space<vmem>> -> memref<128x128xf32, #tpu.memory_space<vmem>>
    %dma_wait3A_154 = arith.constant 0 : i32
    %dma_wait3A_155 = arith.constant 0 : i32
    %dma_wait3A_156 = tpu.memref_slice %arg4[%add3A, %dma_wait3A_149, %dma_wait3A_154, %dma_wait3A_155] : memref<32x144x128x128xf32, #tpu.memory_space<hbm>> -> memref<1x1x128x128xf32, #tpu.memory_space<hbm>>
    %dma_wait3A_157 = tpu.memref_squeeze %dma_wait3A_156 : memref<1x1x128x128xf32, #tpu.memory_space<hbm>> -> memref<128x128xf32, #tpu.memory_space<hbm>>
    %dma_wait3A_158 = arith.constant 0 : i32
    %dma_wait3A_159 = arith.constant 0 : i32
    %dma_wait3A_160 = tpu.memref_slice %arg4[%add3A, %dma_wait3A_149, %dma_wait3A_158, %dma_wait3A_159] : memref<32x144x128x128xf32, #tpu.memory_space<hbm>> -> memref<1x1x128x128xf32, #tpu.memory_space<hbm>>
    %dma_wait3A_161 = tpu.memref_squeeze %dma_wait3A_160 : memref<1x1x128x128xf32, #tpu.memory_space<hbm>> -> memref<128x128xf32, #tpu.memory_space<hbm>>
    %dma_wait3A_162 = arith.constant 0 : i32
    %dma_wait3A_163 = arith.constant 0 : i32
    %dma_wait3A_164 = tpu.memref_slice %arg6[%dma_wait3A_148, %dma_wait3A_162, %dma_wait3A_163] : memref<6x128x128xf32, #tpu.memory_space<vmem>> -> memref<1x128x128xf32, #tpu.memory_space<vmem>>
    %dma_wait3A_165 = tpu.memref_squeeze %dma_wait3A_164 : memref<1x128x128xf32, #tpu.memory_space<vmem>> -> memref<128x128xf32, #tpu.memory_space<vmem>>
    tpu.wait_dma2 semaphore(%arg17 : memref<!tpu.dma_semaphore, #tpu.memory_space<semaphore_mem>>) src(%dma_wait3A_165 : memref<128x128xf32, #tpu.memory_space<vmem>>) dst(%dma_wait3A_161 : memref<128x128xf32, #tpu.memory_space<hbm>>)
    %dma_wait3A_166 = arith.constant 5 : i32
    %dma_wait3A_167 = arith.constant 143 : i32
    %dma_wait3A_168 = arith.constant 0 : i32
    %dma_wait3A_169 = arith.constant 0 : i32
    %dma_wait3A_170 = tpu.memref_slice %arg6[%dma_wait3A_166, %dma_wait3A_168, %dma_wait3A_169] : memref<6x128x128xf32, #tpu.memory_space<vmem>> -> memref<1x128x128xf32, #tpu.memory_space<vmem>>
    %dma_wait3A_171 = tpu.memref_squeeze %dma_wait3A_170 : memref<1x128x128xf32, #tpu.memory_space<vmem>> -> memref<128x128xf32, #tpu.memory_space<vmem>>
    %dma_wait3A_172 = arith.constant 0 : i32
    %dma_wait3A_173 = arith.constant 0 : i32
    %dma_wait3A_174 = tpu.memref_slice %arg4[%add3A, %dma_wait3A_167, %dma_wait3A_172, %dma_wait3A_173] : memref<32x144x128x128xf32, #tpu.memory_space<hbm>> -> memref<1x1x128x128xf32, #tpu.memory_space<hbm>>
    %dma_wait3A_175 = tpu.memref_squeeze %dma_wait3A_174 : memref<1x1x128x128xf32, #tpu.memory_space<hbm>> -> memref<128x128xf32, #tpu.memory_space<hbm>>
    %dma_wait3A_176 = arith.constant 0 : i32
    %dma_wait3A_177 = arith.constant 0 : i32
    %dma_wait3A_178 = tpu.memref_slice %arg4[%add3A, %dma_wait3A_167, %dma_wait3A_176, %dma_wait3A_177] : memref<32x144x128x128xf32, #tpu.memory_space<hbm>> -> memref<1x1x128x128xf32, #tpu.memory_space<hbm>>
    %dma_wait3A_179 = tpu.memref_squeeze %dma_wait3A_178 : memref<1x1x128x128xf32, #tpu.memory_space<hbm>> -> memref<128x128xf32, #tpu.memory_space<hbm>>
    %dma_wait3A_180 = arith.constant 0 : i32
    %dma_wait3A_181 = arith.constant 0 : i32
    %dma_wait3A_182 = tpu.memref_slice %arg6[%dma_wait3A_166, %dma_wait3A_180, %dma_wait3A_181] : memref<6x128x128xf32, #tpu.memory_space<vmem>> -> memref<1x128x128xf32, #tpu.memory_space<vmem>>
    %dma_wait3A_183 = tpu.memref_squeeze %dma_wait3A_182 : memref<1x128x128xf32, #tpu.memory_space<vmem>> -> memref<128x128xf32, #tpu.memory_space<vmem>>
    tpu.wait_dma2 semaphore(%arg18 : memref<!tpu.dma_semaphore, #tpu.memory_space<semaphore_mem>>) src(%dma_wait3A_183 : memref<128x128xf32, #tpu.memory_space<vmem>>) dst(%dma_wait3A_179 : memref<128x128xf32, #tpu.memory_space<hbm>>)
    return
  }
}

</mosaic_0001>

<sc_bundles>
// kernel: _run.3.cloned.1.call-start
scs
__scs_entry_jumppad:
0x0: {  	(pc) =	sbr.rel $0x88, $3  }
0x1: {  	(tag) =	ssettag $0x0;
	lr =	simm.s32 $0x1  }
0x2: {  	[smem:$0x3F9F] =	sst lr;
	_ =	strace $0xD0000000  }
0x3: {  	_ = 	snop  }
0x4: {  	_ = 	snop  }
0x5: {  	_ = 	snop  }
0x6: {  	_ = 	snop  }
0x7: {  	_ = 	snop  }
__scs_overlays_trampoline_lowered:
0x8: {  	[smem:$0x3FAE] =	sst s0  }
0x9: {  	[smem:$0x3FAF] =	sst s1  }
0xa: {  	[smem:$0x3FB0] =	sst s2  }
0xb: {  	[smem:$0x3FB1] =	sst s3  }
0xc: {  	[smem:$0x3FB2] =	sst s4  }
0xd: {  	[smem:$0x3FB3] =	sst s5  }
0xe: {  	[smem:$0x3FB4] =	sst s6  }
0xf: {  	[smem:$0x3FB5] =	sst s7  }
0x10: {  	[smem:$0x3FB6] =	sst s8  }
0x11: {  	[smem:$0x3FB7] =	sst s9;
	s0 =	simm.s32 @!p0 $0x0  }
0x12: {  	s1 =	sld [smem:$0x3F9D];
	s0 =	simm.s32 @p0 $0x1  }
0x13: {  	[smem:$0x3FB8] =	sst s0;
	s0 =	simm.s32 @!p1 $0x0  }
0x14: {  	s2 =	sld [smem:$0x3F9C];
	s0 =	simm.s32 @p1 $0x1  }
0x15: {  	[smem:$0x3FB9] =	sst s0;
	s0 =	simm.s32 @!p2 $0x0  }
0x16: {  	s3 =	sld [smem:$0x3FDB];
	s0 =	simm.s32 @p2 $0x1  }
0x17: {  	s4 =	simm.s32 $0x1BF5;
	[smem:$0x3FBB] =	sst s0  }
0x18: {  	s0 =	sld [smem:$0x3F9E];
	_ =	swait.ge [sflag:s4], $0x0  }
0x19: {  	s7 =	sld [smem:$0x3F9F]  }
0x1a: {  	s8 =	sadd.s32 $0xFFFFE003, lr  }
0x1b: {  	s9 =	sadd.s32 $0xFFFFFEF7, lr;
	s5 =	simm.s32 $0xFFFFFFFF;
	p2 =	slt.u32 s8, $0xFFFFF086  }
0x1c: {  	p1 =	slt.u32 s9, $0xF7A;
	s5 =	simm.s32 @!p2 $0x0  }
0x1d: {  	s5 =	simm.s32 @p1 $0x1;
	p0 =	seq.s32 s7, s2  }
0x1e: {  	s7 =	smul.u32 @!p0 $0xF7A, s2;
	p2 =	seq.s32 @!p0 s5, $0x0  }
0x1f: {  	s9 =	smul.u32 $0xF7A, s1;
	s8 =	simm.s32 @!p0 $0x1BF5;
	p2 =	por !p2, p0  }
0x20: {  	[sflag:s8] =	ssyncset.s32 @!p0 $0xFFFFF086;
	s6 =	sadd.s32 @!p0 s3, s7;
	s7 =	simm.s32 @!p0 $0x108  }
0x21: {  	s3 =	sadd.s32 s3, s9;
	s6 =	sadd.s32 @!p0 $0x88, s6;
	s7 =	simm.s32 @p2 $0x1082  }
0x22: {  	[simem:s7], [sflag:s8] =	dma.local @!p0 [hbm:s6], $0xF7A  }
0x23: {  	s9 =	sor.u32 $0xD0000000, s2;
	s6 =	simm.s32 $0x108;
	_ =	swait.ge @!p0 [sflag:s8], $0x0  }
0x24: {  	s3 =	sadd.s32 $0x88, s3;
	s6 =	simm.s32 @!p1 $0x1082;
	[sflag:s4] =	ssyncset.s32 $0xFFFFF086  }
0x25: {  	[simem:s6], [sflag:s4] =	dma.local [hbm:s3], $0xF7A  }
0x26: {  	[smem:$0x3F9F] =	sst s1;
	(tag) =	ssettag s2;
	_ =	strace s9  }
0x27: {  	s1 =	sld [smem:$0x3FAF]  }
0x28: {  	s2 =	sld [smem:$0x3FB0]  }
0x29: {  	s4 =	sld [smem:$0x3FB2]  }
0x2a: {  	p0 =	seq.s32 s5, $0x0;
	s5 =	sld [smem:$0x3FB3]  }
0x2b: {  	s6 =	sld [smem:$0x3FB4]  }
0x2c: {  	s7 =	sld [smem:$0x3FB5]  }
0x2d: {  	s3 =	simm.s32 $0x108;
	s8 =	sld [smem:$0x3FB6]  }
0x2e: {  	s3 =	simm.s32 @!p0 $0x1082;
	s9 =	sld [smem:$0x3FB7]  }
0x2f: {  	lr =	sadd.s32 s0, s3;
	s0 =	sld [smem:$0x3FAE]  }
0x30: {  	s3 =	sld [smem:$0x3FB1]  }
0x31: {  	[smem:$0x3FBA] =	sst s10  }
0x32: {  	s10 =	sld [smem:$0x3FB8];
	_ =	sdelay $0x3  }
0x33: {  	p0 =	seq.s32 s10, $0x1;
	s10 =	sld [smem:$0x3FBA];
	_ =	sdelay $0x3  }
0x34: {  	[smem:$0x3FBA] =	sst s10  }
0x35: {  	s10 =	sld [smem:$0x3FB9];
	_ =	sdelay $0x3  }
0x36: {  	p1 =	seq.s32 s10, $0x1;
	s10 =	sld [smem:$0x3FBA];
	_ =	sdelay $0x3  }
0x37: {  	[smem:$0x3FBA] =	sst s10  }
0x38: {  	s10 =	sld [smem:$0x3FBB]  }
0x39: {  	_ = 	snop;
	(pc) =	sbr.ind lr, $3  }
0x3a: {  	_ = 	snop  }
0x3b: {  	_ = 	snop  }
0x3c: {  	p2 =	seq.s32 s10, $0x1;
	s10 =	sld [smem:$0x3FBA]  }
0x3d: {  	_ =	shalt  }
0x3e: {  	_ =	shalt  }
0x3f: {  	_ =	shalt  }
0x40: {  	_ =	shalt  }
0x41: {  	_ =	shalt  }
0x42: {  	_ =	shalt  }
0x43: {  	_ =	shalt  }
0x44: {  	_ =	shalt  }
0x45: {  	_ =	shalt  }
0x46: {  	_ =	shalt  }
0x47: {  	_ =	shalt  }
0x48: {  	_ =	shalt  }
0x49: {  	_ =	shalt  }
0x4a: {  	_ =	shalt  }
0x4b: {  	_ =	shalt  }
0x4c: {  	_ =	shalt  }
0x4d: {  	_ =	shalt  }
0x4e: {  	_ =	shalt  }
0x4f: {  	_ =	shalt  }
0x50: {  	_ =	shalt  }
0x51: {  	_ =	shalt  }
0x52: {  	_ =	shalt  }
0x53: {  	_ =	shalt  }
0x54: {  	_ =	shalt  }
0x55: {  	_ =	shalt  }
0x56: {  	_ =	shalt  }
0x57: {  	_ =	shalt  }
0x58: {  	_ =	shalt  }
0x59: {  	_ =	shalt  }
0x5a: {  	_ =	shalt  }
0x5b: {  	_ =	shalt  }
0x5c: {  	_ =	shalt  }
0x5d: {  	_ =	shalt  }
0x5e: {  	_ =	shalt  }
0x5f: {  	_ =	shalt  }
0x60: {  	_ =	shalt  }
0x61: {  	_ =	shalt  }
0x62: {  	_ =	shalt  }
0x63: {  	_ =	shalt  }
0x64: {  	_ =	shalt  }
0x65: {  	_ =	shalt  }
0x66: {  	_ =	shalt  }
0x67: {  	_ =	shalt  }
0x68: {  	_ =	shalt  }
0x69: {  	_ =	shalt  }
0x6a: {  	_ =	shalt  }
0x6b: {  	_ =	shalt  }
0x6c: {  	_ =	shalt  }
0x6d: {  	_ =	shalt  }
0x6e: {  	_ =	shalt  }
0x6f: {  	_ =	shalt  }
0x70: {  	_ =	shalt  }
0x71: {  	_ =	shalt  }
0x72: {  	_ =	shalt  }
0x73: {  	_ =	shalt  }
0x74: {  	_ =	shalt  }
0x75: {  	_ =	shalt  }
0x76: {  	_ =	shalt  }
0x77: {  	_ =	shalt  }
0x78: {  	_ =	shalt  }
0x79: {  	_ =	shalt  }
0x7a: {  	_ =	shalt  }
0x7b: {  	_ =	shalt  }
0x7c: {  	_ =	shalt  }
0x7d: {  	_ =	shalt  }
0x7e: {  	_ =	shalt  }
0x7f: {  	_ =	shalt  }
0x80: {  	_ =	shalt  }
0x81: {  	_ =	shalt  }
0x82: {  	_ =	shalt  }
0x83: {  	_ =	shalt  }
0x84: {  	_ =	shalt  }
0x85: {  	_ =	shalt  }
0x86: {  	_ =	shalt  }
0x87: {  	_ =	shalt  }
.Lfunc_end0:
.L_simem_size_0:
called_computation_lowered:
.L_overlay_start_0:
0x88: {  	s2 =	sld [smem:$0x3FD9]  }
0x89: {  	s3 =	sld [smem:$0x3FFE];
	_ =	sdelay $0x1  }
0x8a: {  	s1 =	srdreg.scid  }
0x8b: {  	s0 =	sand.u32 $0x1, s1  }
0x8c: {  	s18 =	sshll.u32 s0, $0xA;
	s2 =	sadd.s32 s3, s2  }
0x8d: {  	s2 =	sadd.s32 s2, s18  }
0x8e: {  	[smem:$0x3FC6] =	sst s2  }
0x8f: {  	_ = 	snop  }
0x90: {  	s2 =	sld [smem:$0x3FC9]  }
0x91: {  	s19 =	sld [smem:$0x3FC8]  }
0x92: {  	s4 =	sld [smem:$0x3FD0];
	(tm) =	ssettm $0x1  }
0x93: {  	s5 =	sld [smem:$0x3FFB];
	_ =	sdelay $0x3  }
0x94: {  	_ =	strace s5  }
0x95: {  	s5 =	sld [smem:$0x3FFC];
	_ =	sdelay $0x3  }
0x96: {  	_ =	strace s5  }
0x97: {  	s5 =	sld [smem:$0x3FFD];
	_ =	sdelay $0x3  }
0x98: {  	_ =	strace s5  }
0x99: {  	_ =	strace $0x8FFFFFFF  }
0x9a: {  	s20 =	sld [smem:$0x3FDB];
	_ =	sdelay $0x1  }
0x9b: {  	s6 =	simm.s32 $_scs_section_size  }
0x9c: {  	s7 =	simm.s32 $_size__tile_overlayer_lowered;
	s8 =	simm.s32 $_tile_overlayer_lowered  }
0x9d: {  	s23 =	simm.s32 $0x1BFF;
	s22 =	sshll.u32 s8, $0x1;
	s5 =	sadd.s32 s6, s20  }
0x9e: {  	s9 =	simm.s32 $0x0;
	s21 =	sshll.u32 s7, $0x1;
	s7 =	sadd.s32 s22, s5  }
0x9f: {  	[timem:s9], [sflag:s23] =	dma.local [hbm:s7], s21  }
0xa0: {  	_ =	swait.ge [sflag:s23], s21  }
0xa1: {  	s6 =	ssub.s32 $0x0, s21;
	[sflag:s23] =	ssyncset.done $0x0  }
0xa2: {  	[sflag:s23] =	ssyncadd.s32 s6;
	_ =	sdelay $0x1  }
0xa3: {  	s24 =	simm.s32 $0x1B8B  }
0xa4: {  	_ =	swait.ge [sflag:s24], $0x1  }
0xa5: {  	[sflag:s24] =	ssyncset.done $0x0  }
0xa6: {  	s25 =	simm.s32 $0x1B8E;
	[sflag:s24] =	ssyncadd.s32 $0xFFFFFFFF  }
0xa7: {  	s26 =	simm.s32 $execute0_lowered;
	[smem:$0x3FD2] =	sst s25  }
0xa8: {  	s6 =	sshll.u32 s26, $0x1;
	_ =	strace $0x80000046;
	[dreg:$0x1] =	wrdreg $0xFFFFFFFF  }
0xa9: {  	s28 =	simm.s32 $_size_execute0_lowered;
	s5 =	sadd.s32 s5, s6;
	[dreg:$0x0] =	wrdreg $0x0  }
0xaa: {  	s6 =	sshll.u32 s28, $0x1;
	[dreg:$0x2] =	wrdreg s5  }
0xab: {  	[dreg:$0x3] =	wrdreg s6  }
0xac: {  	[dreg:$0x4] =	wrdreg $0xC0  }
0xad: {  	_ =	task [dreg:s9], $0x5FFFF  }
0xae: {  	[dreg:$0x1] =	wrdreg $0xFFFFFFFF  }
0xaf: {  	[dreg:$0x0] =	wrdreg $0x60  }
0xb0: {  	[dreg:$0x2] =	wrdreg s2  }
0xb1: {  	[dreg:$0x3] =	wrdreg s19  }
0xb2: {  	[dreg:$0x4] =	wrdreg s4  }
0xb3: {  	[dreg:$0x5] =	wrdreg $0x9  }
0xb4: {  	_ =	task.clear_ibuf [dreg:s9], $0x6FFFF;
	_ =	strace $0x90000046  }
0xb5: {  	s29 =	simm.s32 $0x9;
	_ =	strace $0x80000048  }
0xb6: {  	_ =	swait.ge [sflag:s29], $0x1  }
0xb7: {  	[sflag:s29] =	ssyncadd.s32 $0xFFFFFFFF  }
0xb8: {  	_ =	strace $0x90000048  }
0xb9: {  	_ =	sfence  }
0xba: {  	s30 =	sld [smem:$0x0];
	_ =	sdelay $0x2  }
0xbb: {  	s31 =	sshll.u32 s1, $0xD;
	s1 =	sshrl.u32 s1, $0x2  }
0xbc: {  	s3 =	sand.u32 $0x4000, s31;
	s1 =	sadd.s32 s1, s30  }
0xbd: {  	s0 =	sor.u32 s3, s0;
	s1 =	sshll.u32 s1, $0x11  }
0xbe: {  	s0 =	sor.u32 s1, s0  }
0xbf: {  	s0 =	sadd.s32 $0x8F2B, s0  }
0xc0: {  	[sflag:s0] =	ssyncadd.remote.s32 $0x1  }
0xc1: {  	_ =	sfence.sel $0xFFFF  }
0xc2: {  	[dreg:$0x0] =	wrdreg $0xFFFFFFFF;
	(pc) =	sbr.abs _section_cstart, $3  }
0xc3: {  	[dreg:$0x1] =	wrdreg $0xFFFFFFFF  }
0xc4: {  	_ =	task.clear_ibuf [dreg:s9], $0x2FFFF;
	_ =	strace $0x9FFFFFFF  }
0xc5: {  	(tm) =	ssettm $0x7FFFFFFF  }
tec
execute0_lowered:
.L_overlay_start_1:
0x0: {  	(tag) =	ssettag $0x1  }
0x1: {  	s1 =	rddreg [dreg:$0x0]  }
0x2: {  	s0 =	rddreg [dreg:$0x1]  }
0x3: {  	s2 =	rddreg [dreg:$0x2];
	s3 =	srdreg.scid  }
0x4: {  	s6 =	stileid.u32;
	s13 =	simm.s32 $0x80;
	s14 =	simm.s32 $0x4800  }
0x5: {  	s15 =	simm.s32 $0x8800;
	s17 =	simm.s32 $0xC800;
	s28 =	simm.s32 $0x4  }
0x6: {  	s29 =	simm.s32 $0x5;
	s30 =	simm.s32 $0x6;
	s16 =	simm.s32 $0xA  }
0x7: {  	s4 =	sand.u32 $0x1, s3;
	s5 =	sshll.u32 s6, $0x1;
	s6 =	smul.u32 $0x480000, s6  }
0x8: {  	s3 =	simm.s32 $0x0;
	s5 =	sor.u32 s4, s5;
	s7 =	smul.u32 $0x240000, s4  }
0x9: {  	[smem:$0x7FF] =	sst s3;
	s4 =	ssub.s32 $0x2, s4;
	s5 =	smul.u32 $0x900, s5  }
0xa: {  	_ =	strace $0x80000047;
	s8 =	sshrl.u32 s4, $0x1;
	s6 =	sadd.s32 s7, s6  }
0xb: {  	s4 =	ssub.s32 s4, s8;
	s0 =	sadd.s32 s0, s5;
	s18 =	sor.u32 $0x4000, s6  }
0xc: {  	s4 =	smax.u32 s4, $0x1;
	s19 =	sor.u32 $0x14000, s6;
	s20 =	sshrl.u32 s6, $0x3  }
0xd: {  	s22 =	sor.u32 $0x10000, s6;
	s23 =	sor.u32 $0xC000, s6;
	[dreg:$0x4] =	wrdreg s0  }
0xe: {  	s24 =	sor.u32 $0x8000, s6;
	[dreg:$0x5] =	wrdreg s4;
	s0 =	sshrl.u32 s18, $0x3  }
0xf: {  	s4 =	sshrl.u32 s19, $0x3;
	s25 =	sshrl.u32 s23, $0x3;
	s26 =	sshrl.u32 s24, $0x3  }
0x10: {  	s19 =	simm.s32 $0x10800;
	s23 =	simm.s32 $0x18800;
	s0 =	sadd.s32 s0, s2  }
0x11: {  	s24 =	simm.s32 $0x1;
	s21 =	sadd.s32 s4, s2;
	[dreg:$0x6] =	wrdreg s0  }
0x12: {  	s18 =	simm.s32 $0xB;
	s31 =	sadd.s32 s26, s2;
	[dreg:$0x8] =	wrdreg s21  }
.Ltmp0:
0x13: {  	s0 =	sadd.s32 s20, s2;
	[dreg:$0xb] =	wrdreg s31;
	(pc) =	sbr.rel .LBB2_1-.Ltmp0, $4  }
0x14: {  	s26 =	simm.s32 $0x3;
	[dreg:$0x7] =	wrdreg s0;
	s0 =	sshrl.u32 s22, $0x3  }
0x15: {  	s21 =	simm.s32 $0x14800;
	s20 =	simm.s32 $0xC;
	s0 =	sadd.s32 s0, s2  }
0x16: {  	s22 =	simm.s32 $0x0;
	[dreg:$0x9] =	wrdreg s0;
	s0 =	sadd.s32 s25, s2  }
0x17: {  	s25 =	simm.s32 $0x2;
	[dreg:$0xa] =	wrdreg s0;
	s0 =	simm.s32 $0x8  }
.LBB2_4:
0x18: {  	s2 =	simm.s32 $0x7  }
0x19: {  	_ =	swait.ge [sflag:s2], $0x4000  }
0x1a: {  	[sflag:s2] =	ssyncset.done $0x0  }
0x1b: {  	[sflag:s2] =	ssyncadd.s32 $0xFFFFC000  }
0x1c: {  	_ =	swait.ge [sflag:s0], $0x4000  }
0x1d: {  	[sflag:s0] =	ssyncset.done $0x0  }
0x1e: {  	s12 =	simm.s32 $0x9;
	[sflag:s0] =	ssyncadd.s32 $0xFFFFC000  }
0x1f: {  	_ =	swait.ge [sflag:s12], $0x4000  }
0x20: {  	[sflag:s12] =	ssyncset.done $0x0  }
0x21: {  	[sflag:s12] =	ssyncadd.s32 $0xFFFFC000  }
0x22: {  	_ =	swait.ge [sflag:s16], $0x4000  }
0x23: {  	[sflag:s16] =	ssyncset.done $0x0  }
0x24: {  	[sflag:s16] =	ssyncadd.s32 $0xFFFFC000  }
0x25: {  	_ =	swait.ge [sflag:s18], $0x4000  }
0x26: {  	[sflag:s18] =	ssyncset.done $0x0  }
0x27: {  	[sflag:s18] =	ssyncadd.s32 $0xFFFFC000  }
0x28: {  	_ =	swait.ge [sflag:s20], $0x4000  }
0x29: {  	s22 =	sadd.s32 $0x1, s22;
	s31 =	rddreg [dreg:$0x5]  }
0x2a: {  	p0 =	sne.s32 s22, s31  }
.Ltmp1:
0x2b: {  	_ = 	snop;
	(pc) =	sbr.rel @!p0 .LBB2_5-.Ltmp1, $3  }
0x2c: {  	_ =	sdelay $0x1  }
0x2d: {  	[sflag:s20] =	ssyncset.done $0x0  }
0x2e: {  	[sflag:s20] =	ssyncadd.s32 $0xFFFFC000  }
.LBB2_1:
0x2f: {  	s2 =	rddreg [dreg:$0x4];
	s9 =	simm.s32 $0xD  }
0x30: {  	[tilespmem:s3], [sflag:$0xD] =	stream.linear.gather [hbm4b:s2+s3], $0x4800, $0x38;
	[tilespmem:$0x1C800] =	vst v63  }
0x31: {  	_ =	swait.ge [sflag:s9], $0x4800  }
0x32: {  	[sflag:s9] =	ssyncset.done $0x0  }
0x33: {  	s8 =	rddreg [dreg:$0x8];
	[sflag:s9] =	ssyncadd.s32 $0xFFFFB800  }
0x34: {  	[tilespmem:s14], [sflag:$0x1] =	stream.indirect.gather [hbm4b:s1+s13], $0x80, s3, s13, $0xb8;
	[tilespmem:$0x1C800] =	vst v63  }
0x35: {  	s7 =	rddreg [dreg:$0x7]  }
0x36: {  	[tilespmem:s15], [sflag:$0x2] =	stream.indirect.gather [hbm4b:s1+s13], $0x80, s13, s13, $0xb8;
	[tilespmem:$0x1C800] =	vst v63  }
0x37: {  	s10 =	simm.s32 $0x100;
	s6 =	rddreg [dreg:$0x6]  }
0x38: {  	[tilespmem:s17], [sflag:$0x3] =	stream.indirect.gather [hbm4b:s1+s13], $0x80, s10, s13, $0xb8;
	[tilespmem:$0x1C800] =	vst v63  }
0x39: {  	s11 =	simm.s32 $0x180;
	s9 =	rddreg [dreg:$0x9]  }
0x3a: {  	[tilespmem:s19], [sflag:$0x4] =	stream.indirect.gather [hbm4b:s1+s13], $0x80, s11, s13, $0xb8;
	[tilespmem:$0x1C800] =	vst v63  }
0x3b: {  	s12 =	simm.s32 $0x200;
	s10 =	rddreg [dreg:$0xa]  }
0x3c: {  	[tilespmem:s21], [sflag:$0x5] =	stream.indirect.gather [hbm4b:s1+s13], $0x80, s12, s13, $0xb8;
	[tilespmem:$0x1C800] =	vst v63  }
0x3d: {  	s31 =	simm.s32 $0x280;
	s5 =	simm.s32 $0x0;
	s11 =	rddreg [dreg:$0xb]  }
0x3e: {  	[tilespmem:s23], [sflag:$0x6] =	stream.indirect.gather [hbm4b:s1+s13], $0x80, s31, s13, $0xb8;
	[tilespmem:$0x1C800] =	vst v63  }
.LBB2_2:
0x3f: {  	_ =	swait.ge [sflag:s24], $0x4000  }
0x40: {  	p0 =	seq.s32 s5, $0x0;
	[sflag:s24] =	ssyncset.done $0x0  }
0x41: {  	s4 =	simm.s32 @!p0 $0x9;
	[sflag:s24] =	ssyncadd.s32 $0xFFFFC000  }
0x42: {  	[hbm4b:s7+s3] =	stream.linear.scatter [tilespmem:s14], [sflag:$0x7], $0x4000, $0x38;
	[tilespmem:$0x1C800] =	vst v63  }
0x43: {  	_ =	swait.ge @!p0 [sflag:s4], $0x4000  }
0x44: {  	[sflag:s4] =	ssyncset.done @!p0 $0x0  }
0x45: {  	[sflag:s4] =	ssyncadd.s32 @!p0 $0xFFFFC000;
	s4 =	sshra.s32 @!p0 s5, $0x2  }
0x46: {  	s31 =	simm.s32 @!p0 $0x80;
	s2 =	simm.s32 @!p0 $0xC800;
	s12 =	sadd.s32 @!p0 $0x100, s4  }
0x47: {  	[tilespmem:s2], [sflag:$0x3] =	stream.indirect.gather @!p0 [hbm4b:s1+s31], $0x80, s12, s31, $0xb8;
	[tilespmem:$0x1C800] =	vst v63  }
0x48: {  	_ =	swait.ge [sflag:s25], $0x4000  }
0x49: {  	[sflag:s25] =	ssyncset.done $0x0  }
0x4a: {  	s2 =	simm.s32 @!p0 $0xA;
	[sflag:s25] =	ssyncadd.s32 $0xFFFFC000  }
0x4b: {  	[hbm4b:s6+s3] =	stream.linear.scatter [tilespmem:s15], [sflag:$0x8], $0x4000, $0x38;
	[tilespmem:$0x1C800] =	vst v63  }
0x4c: {  	_ =	swait.ge @!p0 [sflag:s2], $0x4000  }
0x4d: {  	[sflag:s2] =	ssyncset.done @!p0 $0x0  }
0x4e: {  	s12 =	simm.s32 @!p0 $0x10800;
	[sflag:s2] =	ssyncadd.s32 @!p0 $0xFFFFC000;
	s2 =	sadd.s32 @!p0 $0x180, s4  }
0x4f: {  	[tilespmem:s12], [sflag:$0x4] =	stream.indirect.gather @!p0 [hbm4b:s1+s31], $0x80, s2, s31, $0xb8;
	[tilespmem:$0x1C800] =	vst v63  }
0x50: {  	_ =	swait.ge [sflag:s26], $0x4000  }
0x51: {  	[sflag:s26] =	ssyncset.done $0x0  }
0x52: {  	s2 =	simm.s32 @!p0 $0xB;
	[sflag:s26] =	ssyncadd.s32 $0xFFFFC000  }
0x53: {  	[hbm4b:s11+s3] =	stream.linear.scatter [tilespmem:s17], [sflag:$0x9], $0x4000, $0x38;
	[tilespmem:$0x1C800] =	vst v63  }
0x54: {  	_ =	swait.ge @!p0 [sflag:s2], $0x4000  }
0x55: {  	[sflag:s2] =	ssyncset.done @!p0 $0x0  }
0x56: {  	s12 =	simm.s32 @!p0 $0x14800;
	[sflag:s2] =	ssyncadd.s32 @!p0 $0xFFFFC000;
	s2 =	sadd.s32 @!p0 $0x200, s4  }
0x57: {  	[tilespmem:s12], [sflag:$0x5] =	stream.indirect.gather @!p0 [hbm4b:s1+s31], $0x80, s2, s31, $0xb8;
	[tilespmem:$0x1C800] =	vst v63  }
0x58: {  	_ =	swait.ge [sflag:s28], $0x4000  }
0x59: {  	[sflag:s28] =	ssyncset.done $0x0  }
0x5a: {  	s2 =	simm.s32 @!p0 $0xC;
	[sflag:s28] =	ssyncadd.s32 $0xFFFFC000  }
0x5b: {  	[hbm4b:s10+s3] =	stream.linear.scatter [tilespmem:s19], [sflag:$0xA], $0x4000, $0x38;
	[tilespmem:$0x1C800] =	vst v63  }
0x5c: {  	_ =	swait.ge @!p0 [sflag:s2], $0x4000  }
0x5d: {  	[sflag:s2] =	ssyncset.done @!p0 $0x0  }
0x5e: {  	[sflag:s2] =	ssyncadd.s32 @!p0 $0xFFFFC000;
	s2 =	sadd.s32 @!p0 $0x280, s4;
	s4 =	simm.s32 @!p0 $0x18800  }
0x5f: {  	[tilespmem:s4], [sflag:$0x6] =	stream.indirect.gather @!p0 [hbm4b:s1+s31], $0x80, s2, s31, $0xb8;
	[tilespmem:$0x1C800] =	vst v63  }
0x60: {  	_ =	swait.ge [sflag:s29], $0x4000  }
0x61: {  	p0 =	seq.s32 s5, $0x11400;
	[sflag:s29] =	ssyncset.done $0x0  }
0x62: {  	s2 =	simm.s32 @!p0 $0x7;
	[sflag:s29] =	ssyncadd.s32 $0xFFFFC000  }
0x63: {  	[hbm4b:s9+s3] =	stream.linear.scatter [tilespmem:s21], [sflag:$0xB], $0x4000, $0x38;
	[tilespmem:$0x1C800] =	vst v63  }
0x64: {  	_ =	swait.ge @!p0 [sflag:s2], $0x4000  }
0x65: {  	[sflag:s2] =	ssyncset.done @!p0 $0x0  }
0x66: {  	[sflag:s2] =	ssyncadd.s32 @!p0 $0xFFFFC000;
	s2 =	sshra.s32 @!p0 s5, $0x2  }
0x67: {  	s4 =	simm.s32 @!p0 $0x80;
	s12 =	simm.s32 @!p0 $0x4800;
	s2 =	sadd.s32 @!p0 $0x300, s2  }
0x68: {  	[tilespmem:s12], [sflag:$0x1] =	stream.indirect.gather @!p0 [hbm4b:s1+s4], $0x80, s2, s4, $0xb8;
	[tilespmem:$0x1C800] =	vst v63  }
.Ltmp2:
0x69: {  	_ = 	snop;
	(pc) =	sbr.rel @p0 .LBB2_4-.Ltmp2, $4  }
0x6a: {  	_ =	swait.ge [sflag:s30], $0x4000  }
0x6b: {  	[sflag:s30] =	ssyncset.done $0x0  }
0x6c: {  	[sflag:s30] =	ssyncadd.s32 $0xFFFFC000  }
0x6d: {  	[hbm4b:s8+s3] =	stream.linear.scatter [tilespmem:s23], [sflag:$0xC], $0x4000, $0x38;
	[tilespmem:$0x1C800] =	vst v63  }
0x6e: {  	_ =	swait.ge [sflag:s0], $0x4000  }
.Ltmp3:
0x6f: {  	s2 =	sshra.s32 s5, $0x2;
	s5 =	sadd.s32 $0xC00, s5;
	(pc) =	sbr.rel .LBB2_2-.Ltmp3, $4  }
0x70: {  	s6 =	sadd.s32 $0x3000, s6;
	s7 =	sadd.s32 $0x3000, s7;
	s8 =	sadd.s32 $0x3000, s8  }
0x71: {  	s9 =	sadd.s32 $0x3000, s9;
	s10 =	sadd.s32 $0x3000, s10;
	[sflag:s0] =	ssyncset.done $0x0  }
0x72: {  	s11 =	sadd.s32 $0x3000, s11;
	s2 =	sadd.s32 $0x380, s2;
	[sflag:s0] =	ssyncadd.s32 $0xFFFFC000  }
0x73: {  	[tilespmem:s15], [sflag:$0x2] =	stream.indirect.gather [hbm4b:s1+s13], $0x80, s2, s13, $0xb8;
	[tilespmem:$0x1C800] =	vst v63  }
.LBB2_5:
0x74: {  	_ =	sfence.sel $0x180000  }
0x75: {  	[bflag:$0x0] =	sbarrier.arrive $0xFFFF  }
0x76: {  	_ =	strace $0x90000047  }
0x77: {  	s0 =	stileid.u32;
	[bflag:$0x2] =	sbarrier.arrive $0xFFFF  }
0x78: {  	p0 =	sne.s32 s0, $0x0;
	s0 =	rddreg [dreg:$0x3]  }
0x79: {  	s0 =	sadd.s32 @!p0 $0x100000, s0  }
0x7a: {  	[sflag:s0] =	ssyncadd.tile.s32 @!p0 $0x1;
	_ =	shalt  }
.Lfunc_end2:
_tile_overlayer_lowered:
.L_overlay_start_2:
0x7b: {  	(tag) =	ssettag $0x2  }
0x7c: {  	s0 =	rddreg [dreg:$0x0];
	s2 =	stileid.u32  }
0x7d: {  	s1 =	rddreg [dreg:$0x1];
	p0 =	sne.s32 s2, $0x0  }
0x7e: {  	s3 =	rddreg [dreg:$0x2];
	[bflag:$0x3] =	sbarrier.arrive $0xFFFF;
	s2 =	simm.s32 @!p0 $0x1C0D  }
0x7f: {  	[timem:s3], [sflag:s2] =	dma.local @!p0 [hbm:s0], s1  }
0x80: {  	s0 =	simm.s32 @!p0 $0xD  }
0x81: {  	_ =	swait.ge @!p0 [sflag:s0], s1  }
0x82: {  	s1 =	ssub.s32 @!p0 $0x0, s1;
	[sflag:s0] =	ssyncset.done @!p0 $0x0  }
0x83: {  	[sflag:s0] =	ssyncadd.s32 @!p0 s1  }
0x84: {  	[bflag:$0x3] =	sbarrier.arrive $0xFFFF  }
0x85: {  	_ =	shalt  }

</sc_bundles>
